<compile_context>
chip_gen: v7x
topology: tpu7x:2x2x1
jax: 0.10.2.dev20260603
libtpu: 0.0.44.dev20260713+nightly
codegen_flags: <defaults>
</compile_context>

<pallas_src>
import functools

import jax
import jax.numpy as jnp
from jax import lax
from jax.experimental import pallas as pl
from jax.experimental.pallas import tpu as pltpu
from jax.experimental.pallas import tpu_sc as plsc

TARGET_SAMPLES = 4096
LANES = 16

_info = plsc.get_sparse_core_info()
NC = _info.num_cores
NS = _info.num_subcores
NW = NC * NS


def _make_padder(total, batch, cu_pad):
    out_len = batch * TARGET_SAMPLES
    ch = out_len // NW
    wpr = TARGET_SAMPLES // ch
    flat_buf = total + TARGET_SAMPLES + LANES

    mesh = plsc.VectorSubcoreMesh(core_axis_name="c", subcore_axis_name="s")

    @functools.partial(
        pl.kernel,
        mesh=mesh,
        out_type=jax.ShapeDtypeStruct((out_len,), jnp.float32),
        scratch_types=[
            pltpu.VMEM((cu_pad,), jnp.int32),
            pltpu.VMEM((flat_buf,), jnp.float32),
            pltpu.VMEM((ch,), jnp.float32),
            pltpu.SemaphoreType.DMA,
            pltpu.SemaphoreType.DMA,
        ],
    )
    def padder(flat_hbm, cu_hbm, out_hbm, cu_v, flat_v, out_v, sem0, sem1):
        w = lax.axis_index("s") * NC + lax.axis_index("c")
        b = w // wpr
        i_start = (w % wpr) * ch

        cp0 = pltpu.async_copy(cu_hbm, cu_v, sem0)
        cp1 = pltpu.async_copy(flat_hbm, flat_v.at[pl.ds(0, total)], sem1)
        cp0.wait()
        cp1.wait()

        lanes = lax.iota(jnp.int32, LANES)
        cu_win = cu_v[pl.ds(b, LANES)]
        cu_b = cu_win[0]
        cu_b1 = cu_win[1]
        rel_len = cu_b1 - cu_b - i_start
        src = cu_b + i_start

        for j in range(ch // LANES):
            vals = flat_v[pl.ds(src + j * LANES, LANES)]
            ok = (lanes + (j * LANES)) < rel_len
            out_v[pl.ds(j * LANES, LANES)] = jnp.where(ok, vals, 0.0)

        pltpu.sync_copy(out_v, out_hbm.at[pl.ds(w * ch, ch)])

    return padder


def kernel(flat, cu_seqlens):
    total = flat.shape[0]
    batch = cu_seqlens.shape[0] - 1
    flat1 = flat.reshape(total)
    cu_pad = ((batch + 2 * LANES - 1) // LANES) * LANES
    cu_padded = jnp.pad(cu_seqlens, (0, cu_pad - cu_seqlens.shape[0]))
    out = _make_padder(total, batch, cu_pad)(flat1, cu_padded)
    return out.reshape(batch, TARGET_SAMPLES, 1)

# --- scband reference (transcript-rebuilt; emitter-appended) ---
"""Pipeline reference for scband-audio-data-padder-layer-71957882077667 (READ-ONLY COPY).

The authoritative reference and input builder live on the scoring server;
editing this copy changes nothing except your own understanding.
"""

import jax, jax.numpy as jnp
import numpy as np

SAMPLE_RATE = 16000
TARGET_DURATION_SEC = 0.256
TARGET_SAMPLES = int(round(TARGET_DURATION_SEC * SAMPLE_RATE))  # 4096 samples


def setup_inputs(seed: int = 0) -> dict:
    key = jax.random.key(seed)
    # 8 variable-length audio clips, each <= TARGET_SAMPLES, totalling 16384 samples
    lens = np.array([1500, 2600, 1800, 2200, 1900, 2500, 1700, 2184], dtype=np.int32)
    assert int(lens.sum()) == 16384 and int(lens.max()) <= TARGET_SAMPLES
    cu_seqlens = jnp.asarray(np.concatenate([np.zeros(1, dtype=np.int32), np.cumsum(lens).astype(np.int32)]))
    flat = jax.random.normal(key, (16384, 1), dtype=jnp.float32)
    return {"flat": flat, "cu_seqlens": cu_seqlens}


def reference(flat, cu_seqlens):
    # Faithful JAX translation of AudioDataPadderLayer.call with fragments=None:
    # each ragged sequence is right-padded with zeros up to target_duration_samples,
    # producing a dense [B, TARGET_SAMPLES, 1] batch.
    B = cu_seqlens.shape[0] - 1
    total = flat.shape[0]
    positions = jnp.arange(total)
    # segment id of each flat token (which sequence it belongs to)
    seg_ids = jnp.searchsorted(cu_seqlens, positions, side='right') - 1
    # offset of each token within its sequence
    offsets = positions - jnp.take(cu_seqlens, seg_ids)
    # zero-initialized padded output; scatter real samples into place
    out = jnp.zeros((B, TARGET_SAMPLES, 1), dtype=flat.dtype)
    out = out.at[seg_ids, offsets].set(flat)
    return out

if __name__ == "__main__":
    import jax
    _d = setup_inputs()
    print(jax.jit(kernel)(*tuple(_d.values())))

</pallas_src>

<mosaic_0001>
#map = affine_map<(d0, d1) -> (0)>
module attributes {stable_mosaic.version = 14 : i64} {
  func.func @padder(%arg0: i32, %arg1: i32, %arg2: memref<16384xf32, #tpu.memory_space<hbm>>, %arg3: memref<32xi32, #tpu.memory_space<hbm>>, %arg4: memref<32768xf32, #tpu.memory_space<hbm>>, %arg5: memref<32xi32, #tpu.memory_space<vmem>>, %arg6: memref<20496xf32, #tpu.memory_space<vmem>>, %arg7: memref<1024xf32, #tpu.memory_space<vmem>>, %arg8: memref<!tpu.dma_semaphore, #tpu.memory_space<semaphore_mem>>, %arg9: memref<!tpu.dma_semaphore, #tpu.memory_space<semaphore_mem>>) attributes {dimension_semantics = [#tpu.dimension_semantics<core_parallel>, #tpu.dimension_semantics<subcore_parallel>], iteration_bounds = array<i64: 2, 16>, scalar_prefetch = 0 : i64, scratch_operands = 5 : i64, tpu.core_type = #tpu.core_type<sc_vector_subcore>, window_params = [{transform_indices = #map}, {transform_indices = #map}, {transform_indices = #map}]} {
    %mul3A = arith.constant 2 : i32
    %mul3A_0 = arith.muli %arg1, %mul3A : i32
    %add3A = arith.addi %mul3A_0, %arg0 : i32
    %jit3A = arith.constant 4 : i32
    %div3A = arith.divsi %add3A, %jit3A : i32
    %sign3A = arith.constant 0 : i32
    %sign3A_1 = arith.cmpi sgt, %add3A, %sign3A : i32
    %sign3A_2 = arith.extui %sign3A_1 : i1 to i32
    %sign3A_3 = arith.constant 0 : i32
    %sign3A_4 = arith.cmpi slt, %add3A, %sign3A_3 : i32
    %sign3A_5 = arith.extui %sign3A_4 : i1 to i32
    %sign3A_6 = arith.subi %sign3A_2, %sign3A_5 : i32
    %sign3A_7 = arith.constant 0 : i32
    %sign3A_8 = arith.cmpi sgt, %jit3A, %sign3A_7 : i32
    %sign3A_9 = arith.extui %sign3A_8 : i1 to i32
    %sign3A_10 = arith.constant 0 : i32
    %sign3A_11 = arith.cmpi slt, %jit3A, %sign3A_10 : i32
    %sign3A_12 = arith.extui %sign3A_11 : i1 to i32
    %sign3A_13 = arith.subi %sign3A_9, %sign3A_12 : i32
    %ne3A = arith.cmpi ne, %sign3A_6, %sign3A_13 : i32
    %rem3A = arith.remsi %add3A, %jit3A : i32
    %ne3A_14 = arith.constant 0 : i32
    %ne3A_15 = arith.cmpi ne, %rem3A, %ne3A_14 : i32
    %and3A = arith.andi %ne3A, %ne3A_15 : i1
    %sub3A = arith.constant 1 : i32
    %sub3A_16 = arith.subi %div3A, %sub3A : i32
    %select_n3A = arith.select %and3A, %sub3A_16, %div3A : i32
    %jit3A_17 = arith.constant 4 : i32
    %eq3A = arith.constant 0 : i32
    %eq3A_18 = arith.cmpi eq, %jit3A_17, %eq3A : i32
    %jit3A_19 = arith.constant 1 : i32
    %select_n3A_20 = arith.select %eq3A_18, %jit3A_19, %jit3A_17 : i32
    %rem3A_21 = arith.remsi %add3A, %select_n3A_20 : i32
    %ne3A_22 = arith.constant 0 : i32
    %ne3A_23 = arith.cmpi ne, %rem3A_21, %ne3A_22 : i32
    %lt3A = arith.constant 0 : i32
    %lt3A_24 = arith.cmpi slt, %rem3A_21, %lt3A : i32
    %lt3A_25 = arith.constant 0 : i32
    %lt3A_26 = arith.cmpi slt, %select_n3A_20, %lt3A_25 : i32
    %ne3A_27 = arith.xori %lt3A_24, %lt3A_26 : i1
    %and3A_28 = arith.andi %ne3A_27, %ne3A_23 : i1
    %add3A_29 = arith.addi %rem3A_21, %select_n3A_20 : i32
    %select_n3A_30 = arith.select %and3A_28, %add3A_29, %rem3A_21 : i32
    %mul3A_31 = arith.constant 1024 : i32
    %mul3A_32 = arith.muli %select_n3A_30, %mul3A_31 : i32
    tpu.enqueue_dma source(%arg3 : memref<32xi32, #tpu.memory_space<hbm>>) target(%arg5 : memref<32xi32, #tpu.memory_space<vmem>>) target_semaphore(%arg8 : memref<!tpu.dma_semaphore, #tpu.memory_space<semaphore_mem>>)
    %dma_start3A = arith.constant 0 : i32
    %dma_start3A_33 = tpu.memref_slice %arg6[%dma_start3A] : memref<20496xf32, #tpu.memory_space<vmem>> -> memref<16384xf32, #tpu.memory_space<vmem>>
    %dma_start3A_34 = arith.constant 0 : i32
    %dma_start3A_35 = tpu.memref_slice %arg6[%dma_start3A_34] : memref<20496xf32, #tpu.memory_space<vmem>> -> memref<16384xf32, #tpu.memory_space<vmem>>
    tpu.enqueue_dma source(%arg2 : memref<16384xf32, #tpu.memory_space<hbm>>) target(%dma_start3A_35 : memref<16384xf32, #tpu.memory_space<vmem>>) target_semaphore(%arg9 : memref<!tpu.dma_semaphore, #tpu.memory_space<semaphore_mem>>)
    tpu.wait_dma2 semaphore(%arg8 : memref<!tpu.dma_semaphore, #tpu.memory_space<semaphore_mem>>) src(%arg3 : memref<32xi32, #tpu.memory_space<hbm>>) dst(%arg5 : memref<32xi32, #tpu.memory_space<vmem>>)
    %dma_wait3A = arith.constant 0 : i32
    %dma_wait3A_36 = tpu.memref_slice %arg6[%dma_wait3A] : memref<20496xf32, #tpu.memory_space<vmem>> -> memref<16384xf32, #tpu.memory_space<vmem>>
    %dma_wait3A_37 = arith.constant 0 : i32
    %dma_wait3A_38 = tpu.memref_slice %arg6[%dma_wait3A_37] : memref<20496xf32, #tpu.memory_space<vmem>> -> memref<16384xf32, #tpu.memory_space<vmem>>
    tpu.wait_dma2 semaphore(%arg9 : memref<!tpu.dma_semaphore, #tpu.memory_space<semaphore_mem>>) src(%arg2 : memref<16384xf32, #tpu.memory_space<hbm>>) dst(%dma_wait3A_38 : memref<16384xf32, #tpu.memory_space<vmem>>)
    %iota3A = tpu.iota {dimensions = array<i32: 0>} : vector<16xi32>
    %get3A = arith.index_cast %select_n3A : i32 to index
    %get3A_39 = tpu.vector_load %arg5[%get3A] {strides = array<i32>} : memref<32xi32, #tpu.memory_space<vmem>>, vector<16xi32>,
    %get3A_40 = vector.shape_cast %get3A_39 : vector<16xi32> to vector<16xi32>
    %slice3A = vector.extract_strided_slice %get3A_40 {offsets = [0], sizes = [1], strides = [1]} : vector<16xi32> to vector<1xi32>
    %squeeze3A = vector.extract %slice3A[0] : i32 from vector<1xi32>
    %slice3A_41 = vector.extract_strided_slice %get3A_40 {offsets = [1], sizes = [1], strides = [1]} : vector<16xi32> to vector<1xi32>
    %squeeze3A_42 = vector.extract %slice3A_41[0] : i32 from vector<1xi32>
    %sub3A_43 = arith.subi %squeeze3A_42, %squeeze3A : i32
    %sub3A_44 = arith.subi %sub3A_43, %mul3A_32 : i32
    %add3A_45 = arith.addi %squeeze3A, %mul3A_32 : i32
    %add3A_46 = arith.constant 0 : i32
    %add3A_47 = arith.addi %add3A_45, %add3A_46 : i32
    %get3A_48 = arith.index_cast %add3A_47 : i32 to index
    %get3A_49 = tpu.vector_load %arg6[%get3A_48] {strides = array<i32>} : memref<20496xf32, #tpu.memory_space<vmem>>, vector<16xf32>,
    %get3A_50 = vector.shape_cast %get3A_49 : vector<16xf32> to vector<16xf32>
    %add3A_51 = arith.constant 0 : i32
    %add3A_52 = vector.broadcast %add3A_51 : i32 to vector<16xi32>
    %add3A_53 = arith.addi %iota3A, %add3A_52 : vector<16xi32>
    %lt3A_54 = vector.broadcast %sub3A_44 : i32 to vector<16xi32>
    %lt3A_55 = arith.cmpi slt, %add3A_53, %lt3A_54 : vector<16xi32>
    %jit3A_56 = arith.constant 0.000000e+00 : f32
    %broadcast_in_dim3A = vector.broadcast %jit3A_56 : f32 to vector<16xf32>
    %select_n3A_57 = arith.select %lt3A_55, %get3A_50, %broadcast_in_dim3A : vector<16xi1>, vector<16xf32>
    %swap3A = arith.constant 0 : index
    %swap3A_58 = tpu.vector_load %arg7[%swap3A] {strides = array<i32>} : memref<1024xf32, #tpu.memory_space<vmem>>, vector<16xf32>,
    %swap3A_59 = vector.shape_cast %swap3A_58 : vector<16xf32> to vector<16xf32>
    %swap3A_60 = vector.shape_cast %select_n3A_57 : vector<16xf32> to vector<16xf32>
    tpu.vector_store %arg7[%swap3A], %swap3A_60 {strides = array<i32>} : memref<1024xf32, #tpu.memory_space<vmem>>, vector<16xf32>,
    %add3A_61 = arith.constant 16 : i32
    %add3A_62 = arith.addi %add3A_45, %add3A_61 : i32
    %get3A_63 = arith.index_cast %add3A_62 : i32 to index
    %get3A_64 = tpu.vector_load %arg6[%get3A_63] {strides = array<i32>} : memref<20496xf32, #tpu.memory_space<vmem>>, vector<16xf32>,
    %get3A_65 = vector.shape_cast %get3A_64 : vector<16xf32> to vector<16xf32>
    %add3A_66 = arith.constant 16 : i32
    %add3A_67 = vector.broadcast %add3A_66 : i32 to vector<16xi32>
    %add3A_68 = arith.addi %iota3A, %add3A_67 : vector<16xi32>
    %lt3A_69 = vector.broadcast %sub3A_44 : i32 to vector<16xi32>
    %lt3A_70 = arith.cmpi slt, %add3A_68, %lt3A_69 : vector<16xi32>
    %jit3A_71 = arith.constant 0.000000e+00 : f32
    %broadcast_in_dim3A_72 = vector.broadcast %jit3A_71 : f32 to vector<16xf32>
    %select_n3A_73 = arith.select %lt3A_70, %get3A_65, %broadcast_in_dim3A_72 : vector<16xi1>, vector<16xf32>
    %swap3A_74 = arith.constant 16 : index
    %swap3A_75 = tpu.vector_load %arg7[%swap3A_74] {strides = array<i32>} : memref<1024xf32, #tpu.memory_space<vmem>>, vector<16xf32>,
    %swap3A_76 = vector.shape_cast %swap3A_75 : vector<16xf32> to vector<16xf32>
    %swap3A_77 = vector.shape_cast %select_n3A_73 : vector<16xf32> to vector<16xf32>
    tpu.vector_store %arg7[%swap3A_74], %swap3A_77 {strides = array<i32>} : memref<1024xf32, #tpu.memory_space<vmem>>, vector<16xf32>,
    %add3A_78 = arith.constant 32 : i32
    %add3A_79 = arith.addi %add3A_45, %add3A_78 : i32
    %get3A_80 = arith.index_cast %add3A_79 : i32 to index
    %get3A_81 = tpu.vector_load %arg6[%get3A_80] {strides = array<i32>} : memref<20496xf32, #tpu.memory_space<vmem>>, vector<16xf32>,
    %get3A_82 = vector.shape_cast %get3A_81 : vector<16xf32> to vector<16xf32>
    %add3A_83 = arith.constant 32 : i32
    %add3A_84 = vector.broadcast %add3A_83 : i32 to vector<16xi32>
    %add3A_85 = arith.addi %iota3A, %add3A_84 : vector<16xi32>
    %lt3A_86 = vector.broadcast %sub3A_44 : i32 to vector<16xi32>
    %lt3A_87 = arith.cmpi slt, %add3A_85, %lt3A_86 : vector<16xi32>
    %jit3A_88 = arith.constant 0.000000e+00 : f32
    %broadcast_in_dim3A_89 = vector.broadcast %jit3A_88 : f32 to vector<16xf32>
    %select_n3A_90 = arith.select %lt3A_87, %get3A_82, %broadcast_in_dim3A_89 : vector<16xi1>, vector<16xf32>
    %swap3A_91 = arith.constant 32 : index
    %swap3A_92 = tpu.vector_load %arg7[%swap3A_91] {strides = array<i32>} : memref<1024xf32, #tpu.memory_space<vmem>>, vector<16xf32>,
    %swap3A_93 = vector.shape_cast %swap3A_92 : vector<16xf32> to vector<16xf32>
    %swap3A_94 = vector.shape_cast %select_n3A_90 : vector<16xf32> to vector<16xf32>
    tpu.vector_store %arg7[%swap3A_91], %swap3A_94 {strides = array<i32>} : memref<1024xf32, #tpu.memory_space<vmem>>, vector<16xf32>,
    %add3A_95 = arith.constant 48 : i32
    %add3A_96 = arith.addi %add3A_45, %add3A_95 : i32
    %get3A_97 = arith.index_cast %add3A_96 : i32 to index
    %get3A_98 = tpu.vector_load %arg6[%get3A_97] {strides = array<i32>} : memref<20496xf32, #tpu.memory_space<vmem>>, vector<16xf32>,
    %get3A_99 = vector.shape_cast %get3A_98 : vector<16xf32> to vector<16xf32>
    %add3A_100 = arith.constant 48 : i32
    %add3A_101 = vector.broadcast %add3A_100 : i32 to vector<16xi32>
    %add3A_102 = arith.addi %iota3A, %add3A_101 : vector<16xi32>
    %lt3A_103 = vector.broadcast %sub3A_44 : i32 to vector<16xi32>
    %lt3A_104 = arith.cmpi slt, %add3A_102, %lt3A_103 : vector<16xi32>
    %jit3A_105 = arith.constant 0.000000e+00 : f32
    %broadcast_in_dim3A_106 = vector.broadcast %jit3A_105 : f32 to vector<16xf32>
    %select_n3A_107 = arith.select %lt3A_104, %get3A_99, %broadcast_in_dim3A_106 : vector<16xi1>, vector<16xf32>
    %swap3A_108 = arith.constant 48 : index
    %swap3A_109 = tpu.vector_load %arg7[%swap3A_108] {strides = array<i32>} : memref<1024xf32, #tpu.memory_space<vmem>>, vector<16xf32>,
    %swap3A_110 = vector.shape_cast %swap3A_109 : vector<16xf32> to vector<16xf32>
    %swap3A_111 = vector.shape_cast %select_n3A_107 : vector<16xf32> to vector<16xf32>
    tpu.vector_store %arg7[%swap3A_108], %swap3A_111 {strides = array<i32>} : memref<1024xf32, #tpu.memory_space<vmem>>, vector<16xf32>,
    %add3A_112 = arith.constant 64 : i32
    %add3A_113 = arith.addi %add3A_45, %add3A_112 : i32
    %get3A_114 = arith.index_cast %add3A_113 : i32 to index
    %get3A_115 = tpu.vector_load %arg6[%get3A_114] {strides = array<i32>} : memref<20496xf32, #tpu.memory_space<vmem>>, vector<16xf32>,
    %get3A_116 = vector.shape_cast %get3A_115 : vector<16xf32> to vector<16xf32>
    %add3A_117 = arith.constant 64 : i32
    %add3A_118 = vector.broadcast %add3A_117 : i32 to vector<16xi32>
    %add3A_119 = arith.addi %iota3A, %add3A_118 : vector<16xi32>
    %lt3A_120 = vector.broadcast %sub3A_44 : i32 to vector<16xi32>
    %lt3A_121 = arith.cmpi slt, %add3A_119, %lt3A_120 : vector<16xi32>
    %jit3A_122 = arith.constant 0.000000e+00 : f32
    %broadcast_in_dim3A_123 = vector.broadcast %jit3A_122 : f32 to vector<16xf32>
    %select_n3A_124 = arith.select %lt3A_121, %get3A_116, %broadcast_in_dim3A_123 : vector<16xi1>, vector<16xf32>
    %swap3A_125 = arith.constant 64 : index
    %swap3A_126 = tpu.vector_load %arg7[%swap3A_125] {strides = array<i32>} : memref<1024xf32, #tpu.memory_space<vmem>>, vector<16xf32>,
    %swap3A_127 = vector.shape_cast %swap3A_126 : vector<16xf32> to vector<16xf32>
    %swap3A_128 = vector.shape_cast %select_n3A_124 : vector<16xf32> to vector<16xf32>
    tpu.vector_store %arg7[%swap3A_125], %swap3A_128 {strides = array<i32>} : memref<1024xf32, #tpu.memory_space<vmem>>, vector<16xf32>,
    %add3A_129 = arith.constant 80 : i32
    %add3A_130 = arith.addi %add3A_45, %add3A_129 : i32
    %get3A_131 = arith.index_cast %add3A_130 : i32 to index
    %get3A_132 = tpu.vector_load %arg6[%get3A_131] {strides = array<i32>} : memref<20496xf32, #tpu.memory_space<vmem>>, vector<16xf32>,
    %get3A_133 = vector.shape_cast %get3A_132 : vector<16xf32> to vector<16xf32>
    %add3A_134 = arith.constant 80 : i32
    %add3A_135 = vector.broadcast %add3A_134 : i32 to vector<16xi32>
    %add3A_136 = arith.addi %iota3A, %add3A_135 : vector<16xi32>
    %lt3A_137 = vector.broadcast %sub3A_44 : i32 to vector<16xi32>
    %lt3A_138 = arith.cmpi slt, %add3A_136, %lt3A_137 : vector<16xi32>
    %jit3A_139 = arith.constant 0.000000e+00 : f32
    %broadcast_in_dim3A_140 = vector.broadcast %jit3A_139 : f32 to vector<16xf32>
    %select_n3A_141 = arith.select %lt3A_138, %get3A_133, %broadcast_in_dim3A_140 : vector<16xi1>, vector<16xf32>
    %swap3A_142 = arith.constant 80 : index
    %swap3A_143 = tpu.vector_load %arg7[%swap3A_142] {strides = array<i32>} : memref<1024xf32, #tpu.memory_space<vmem>>, vector<16xf32>,
    %swap3A_144 = vector.shape_cast %swap3A_143 : vector<16xf32> to vector<16xf32>
    %swap3A_145 = vector.shape_cast %select_n3A_141 : vector<16xf32> to vector<16xf32>
    tpu.vector_store %arg7[%swap3A_142], %swap3A_145 {strides = array<i32>} : memref<1024xf32, #tpu.memory_space<vmem>>, vector<16xf32>,
    %add3A_146 = arith.constant 96 : i32
    %add3A_147 = arith.addi %add3A_45, %add3A_146 : i32
    %get3A_148 = arith.index_cast %add3A_147 : i32 to index
    %get3A_149 = tpu.vector_load %arg6[%get3A_148] {strides = array<i32>} : memref<20496xf32, #tpu.memory_space<vmem>>, vector<16xf32>,
    %get3A_150 = vector.shape_cast %get3A_149 : vector<16xf32> to vector<16xf32>
    %add3A_151 = arith.constant 96 : i32
    %add3A_152 = vector.broadcast %add3A_151 : i32 to vector<16xi32>
    %add3A_153 = arith.addi %iota3A, %add3A_152 : vector<16xi32>
    %lt3A_154 = vector.broadcast %sub3A_44 : i32 to vector<16xi32>
    %lt3A_155 = arith.cmpi slt, %add3A_153, %lt3A_154 : vector<16xi32>
    %jit3A_156 = arith.constant 0.000000e+00 : f32
    %broadcast_in_dim3A_157 = vector.broadcast %jit3A_156 : f32 to vector<16xf32>
    %select_n3A_158 = arith.select %lt3A_155, %get3A_150, %broadcast_in_dim3A_157 : vector<16xi1>, vector<16xf32>
    %swap3A_159 = arith.constant 96 : index
    %swap3A_160 = tpu.vector_load %arg7[%swap3A_159] {strides = array<i32>} : memref<1024xf32, #tpu.memory_space<vmem>>, vector<16xf32>,
    %swap3A_161 = vector.shape_cast %swap3A_160 : vector<16xf32> to vector<16xf32>
    %swap3A_162 = vector.shape_cast %select_n3A_158 : vector<16xf32> to vector<16xf32>
    tpu.vector_store %arg7[%swap3A_159], %swap3A_162 {strides = array<i32>} : memref<1024xf32, #tpu.memory_space<vmem>>, vector<16xf32>,
    %add3A_163 = arith.constant 112 : i32
    %add3A_164 = arith.addi %add3A_45, %add3A_163 : i32
    %get3A_165 = arith.index_cast %add3A_164 : i32 to index
    %get3A_166 = tpu.vector_load %arg6[%get3A_165] {strides = array<i32>} : memref<20496xf32, #tpu.memory_space<vmem>>, vector<16xf32>,
    %get3A_167 = vector.shape_cast %get3A_166 : vector<16xf32> to vector<16xf32>
    %add3A_168 = arith.constant 112 : i32
    %add3A_169 = vector.broadcast %add3A_168 : i32 to vector<16xi32>
    %add3A_170 = arith.addi %iota3A, %add3A_169 : vector<16xi32>
    %lt3A_171 = vector.broadcast %sub3A_44 : i32 to vector<16xi32>
    %lt3A_172 = arith.cmpi slt, %add3A_170, %lt3A_171 : vector<16xi32>
    %jit3A_173 = arith.constant 0.000000e+00 : f32
    %broadcast_in_dim3A_174 = vector.broadcast %jit3A_173 : f32 to vector<16xf32>
    %select_n3A_175 = arith.select %lt3A_172, %get3A_167, %broadcast_in_dim3A_174 : vector<16xi1>, vector<16xf32>
    %swap3A_176 = arith.constant 112 : index
    %swap3A_177 = tpu.vector_load %arg7[%swap3A_176] {strides = array<i32>} : memref<1024xf32, #tpu.memory_space<vmem>>, vector<16xf32>,
    %swap3A_178 = vector.shape_cast %swap3A_177 : vector<16xf32> to vector<16xf32>
    %swap3A_179 = vector.shape_cast %select_n3A_175 : vector<16xf32> to vector<16xf32>
    tpu.vector_store %arg7[%swap3A_176], %swap3A_179 {strides = array<i32>} : memref<1024xf32, #tpu.memory_space<vmem>>, vector<16xf32>,
    %add3A_180 = arith.constant 128 : i32
    %add3A_181 = arith.addi %add3A_45, %add3A_180 : i32
    %get3A_182 = arith.index_cast %add3A_181 : i32 to index
    %get3A_183 = tpu.vector_load %arg6[%get3A_182] {strides = array<i32>} : memref<20496xf32, #tpu.memory_space<vmem>>, vector<16xf32>,
    %get3A_184 = vector.shape_cast %get3A_183 : vector<16xf32> to vector<16xf32>
    %add3A_185 = arith.constant 128 : i32
    %add3A_186 = vector.broadcast %add3A_185 : i32 to vector<16xi32>
    %add3A_187 = arith.addi %iota3A, %add3A_186 : vector<16xi32>
    %lt3A_188 = vector.broadcast %sub3A_44 : i32 to vector<16xi32>
    %lt3A_189 = arith.cmpi slt, %add3A_187, %lt3A_188 : vector<16xi32>
    %jit3A_190 = arith.constant 0.000000e+00 : f32
    %broadcast_in_dim3A_191 = vector.broadcast %jit3A_190 : f32 to vector<16xf32>
    %select_n3A_192 = arith.select %lt3A_189, %get3A_184, %broadcast_in_dim3A_191 : vector<16xi1>, vector<16xf32>
    %swap3A_193 = arith.constant 128 : index
    %swap3A_194 = tpu.vector_load %arg7[%swap3A_193] {strides = array<i32>} : memref<1024xf32, #tpu.memory_space<vmem>>, vector<16xf32>,
    %swap3A_195 = vector.shape_cast %swap3A_194 : vector<16xf32> to vector<16xf32>
    %swap3A_196 = vector.shape_cast %select_n3A_192 : vector<16xf32> to vector<16xf32>
    tpu.vector_store %arg7[%swap3A_193], %swap3A_196 {strides = array<i32>} : memref<1024xf32, #tpu.memory_space<vmem>>, vector<16xf32>,
    %add3A_197 = arith.constant 144 : i32
    %add3A_198 = arith.addi %add3A_45, %add3A_197 : i32
    %get3A_199 = arith.index_cast %add3A_198 : i32 to index
    %get3A_200 = tpu.vector_load %arg6[%get3A_199] {strides = array<i32>} : memref<20496xf32, #tpu.memory_space<vmem>>, vector<16xf32>,
    %get3A_201 = vector.shape_cast %get3A_200 : vector<16xf32> to vector<16xf32>
    %add3A_202 = arith.constant 144 : i32
    %add3A_203 = vector.broadcast %add3A_202 : i32 to vector<16xi32>
    %add3A_204 = arith.addi %iota3A, %add3A_203 : vector<16xi32>
    %lt3A_205 = vector.broadcast %sub3A_44 : i32 to vector<16xi32>
    %lt3A_206 = arith.cmpi slt, %add3A_204, %lt3A_205 : vector<16xi32>
    %jit3A_207 = arith.constant 0.000000e+00 : f32
    %broadcast_in_dim3A_208 = vector.broadcast %jit3A_207 : f32 to vector<16xf32>
    %select_n3A_209 = arith.select %lt3A_206, %get3A_201, %broadcast_in_dim3A_208 : vector<16xi1>, vector<16xf32>
    %swap3A_210 = arith.constant 144 : index
    %swap3A_211 = tpu.vector_load %arg7[%swap3A_210] {strides = array<i32>} : memref<1024xf32, #tpu.memory_space<vmem>>, vector<16xf32>,
    %swap3A_212 = vector.shape_cast %swap3A_211 : vector<16xf32> to vector<16xf32>
    %swap3A_213 = vector.shape_cast %select_n3A_209 : vector<16xf32> to vector<16xf32>
    tpu.vector_store %arg7[%swap3A_210], %swap3A_213 {strides = array<i32>} : memref<1024xf32, #tpu.memory_space<vmem>>, vector<16xf32>,
    %add3A_214 = arith.constant 160 : i32
    %add3A_215 = arith.addi %add3A_45, %add3A_214 : i32
    %get3A_216 = arith.index_cast %add3A_215 : i32 to index
    %get3A_217 = tpu.vector_load %arg6[%get3A_216] {strides = array<i32>} : memref<20496xf32, #tpu.memory_space<vmem>>, vector<16xf32>,
    %get3A_218 = vector.shape_cast %get3A_217 : vector<16xf32> to vector<16xf32>
    %add3A_219 = arith.constant 160 : i32
    %add3A_220 = vector.broadcast %add3A_219 : i32 to vector<16xi32>
    %add3A_221 = arith.addi %iota3A, %add3A_220 : vector<16xi32>
    %lt3A_222 = vector.broadcast %sub3A_44 : i32 to vector<16xi32>
    %lt3A_223 = arith.cmpi slt, %add3A_221, %lt3A_222 : vector<16xi32>
    %jit3A_224 = arith.constant 0.000000e+00 : f32
    %broadcast_in_dim3A_225 = vector.broadcast %jit3A_224 : f32 to vector<16xf32>
    %select_n3A_226 = arith.select %lt3A_223, %get3A_218, %broadcast_in_dim3A_225 : vector<16xi1>, vector<16xf32>
    %swap3A_227 = arith.constant 160 : index
    %swap3A_228 = tpu.vector_load %arg7[%swap3A_227] {strides = array<i32>} : memref<1024xf32, #tpu.memory_space<vmem>>, vector<16xf32>,
    %swap3A_229 = vector.shape_cast %swap3A_228 : vector<16xf32> to vector<16xf32>
    %swap3A_230 = vector.shape_cast %select_n3A_226 : vector<16xf32> to vector<16xf32>
    tpu.vector_store %arg7[%swap3A_227], %swap3A_230 {strides = array<i32>} : memref<1024xf32, #tpu.memory_space<vmem>>, vector<16xf32>,
    %add3A_231 = arith.constant 176 : i32
    %add3A_232 = arith.addi %add3A_45, %add3A_231 : i32
    %get3A_233 = arith.index_cast %add3A_232 : i32 to index
    %get3A_234 = tpu.vector_load %arg6[%get3A_233] {strides = array<i32>} : memref<20496xf32, #tpu.memory_space<vmem>>, vector<16xf32>,
    %get3A_235 = vector.shape_cast %get3A_234 : vector<16xf32> to vector<16xf32>
    %add3A_236 = arith.constant 176 : i32
    %add3A_237 = vector.broadcast %add3A_236 : i32 to vector<16xi32>
    %add3A_238 = arith.addi %iota3A, %add3A_237 : vector<16xi32>
    %lt3A_239 = vector.broadcast %sub3A_44 : i32 to vector<16xi32>
    %lt3A_240 = arith.cmpi slt, %add3A_238, %lt3A_239 : vector<16xi32>
    %jit3A_241 = arith.constant 0.000000e+00 : f32
    %broadcast_in_dim3A_242 = vector.broadcast %jit3A_241 : f32 to vector<16xf32>
    %select_n3A_243 = arith.select %lt3A_240, %get3A_235, %broadcast_in_dim3A_242 : vector<16xi1>, vector<16xf32>
    %swap3A_244 = arith.constant 176 : index
    %swap3A_245 = tpu.vector_load %arg7[%swap3A_244] {strides = array<i32>} : memref<1024xf32, #tpu.memory_space<vmem>>, vector<16xf32>,
    %swap3A_246 = vector.shape_cast %swap3A_245 : vector<16xf32> to vector<16xf32>
    %swap3A_247 = vector.shape_cast %select_n3A_243 : vector<16xf32> to vector<16xf32>
    tpu.vector_store %arg7[%swap3A_244], %swap3A_247 {strides = array<i32>} : memref<1024xf32, #tpu.memory_space<vmem>>, vector<16xf32>,
    %add3A_248 = arith.constant 192 : i32
    %add3A_249 = arith.addi %add3A_45, %add3A_248 : i32
    %get3A_250 = arith.index_cast %add3A_249 : i32 to index
    %get3A_251 = tpu.vector_load %arg6[%get3A_250] {strides = array<i32>} : memref<20496xf32, #tpu.memory_space<vmem>>, vector<16xf32>,
    %get3A_252 = vector.shape_cast %get3A_251 : vector<16xf32> to vector<16xf32>
    %add3A_253 = arith.constant 192 : i32
    %add3A_254 = vector.broadcast %add3A_253 : i32 to vector<16xi32>
    %add3A_255 = arith.addi %iota3A, %add3A_254 : vector<16xi32>
    %lt3A_256 = vector.broadcast %sub3A_44 : i32 to vector<16xi32>
    %lt3A_257 = arith.cmpi slt, %add3A_255, %lt3A_256 : vector<16xi32>
    %jit3A_258 = arith.constant 0.000000e+00 : f32
    %broadcast_in_dim3A_259 = vector.broadcast %jit3A_258 : f32 to vector<16xf32>
    %select_n3A_260 = arith.select %lt3A_257, %get3A_252, %broadcast_in_dim3A_259 : vector<16xi1>, vector<16xf32>
    %swap3A_261 = arith.constant 192 : index
    %swap3A_262 = tpu.vector_load %arg7[%swap3A_261] {strides = array<i32>} : memref<1024xf32, #tpu.memory_space<vmem>>, vector<16xf32>,
    %swap3A_263 = vector.shape_cast %swap3A_262 : vector<16xf32> to vector<16xf32>
    %swap3A_264 = vector.shape_cast %select_n3A_260 : vector<16xf32> to vector<16xf32>
    tpu.vector_store %arg7[%swap3A_261], %swap3A_264 {strides = array<i32>} : memref<1024xf32, #tpu.memory_space<vmem>>, vector<16xf32>,
    %add3A_265 = arith.constant 208 : i32
    %add3A_266 = arith.addi %add3A_45, %add3A_265 : i32
    %get3A_267 = arith.index_cast %add3A_266 : i32 to index
    %get3A_268 = tpu.vector_load %arg6[%get3A_267] {strides = array<i32>} : memref<20496xf32, #tpu.memory_space<vmem>>, vector<16xf32>,
    %get3A_269 = vector.shape_cast %get3A_268 : vector<16xf32> to vector<16xf32>
    %add3A_270 = arith.constant 208 : i32
    %add3A_271 = vector.broadcast %add3A_270 : i32 to vector<16xi32>
    %add3A_272 = arith.addi %iota3A, %add3A_271 : vector<16xi32>
    %lt3A_273 = vector.broadcast %sub3A_44 : i32 to vector<16xi32>
    %lt3A_274 = arith.cmpi slt, %add3A_272, %lt3A_273 : vector<16xi32>
    %jit3A_275 = arith.constant 0.000000e+00 : f32
    %broadcast_in_dim3A_276 = vector.broadcast %jit3A_275 : f32 to vector<16xf32>
    %select_n3A_277 = arith.select %lt3A_274, %get3A_269, %broadcast_in_dim3A_276 : vector<16xi1>, vector<16xf32>
    %swap3A_278 = arith.constant 208 : index
    %swap3A_279 = tpu.vector_load %arg7[%swap3A_278] {strides = array<i32>} : memref<1024xf32, #tpu.memory_space<vmem>>, vector<16xf32>,
    %swap3A_280 = vector.shape_cast %swap3A_279 : vector<16xf32> to vector<16xf32>
    %swap3A_281 = vector.shape_cast %select_n3A_277 : vector<16xf32> to vector<16xf32>
    tpu.vector_store %arg7[%swap3A_278], %swap3A_281 {strides = array<i32>} : memref<1024xf32, #tpu.memory_space<vmem>>, vector<16xf32>,
    %add3A_282 = arith.constant 224 : i32
    %add3A_283 = arith.addi %add3A_45, %add3A_282 : i32
    %get3A_284 = arith.index_cast %add3A_283 : i32 to index
    %get3A_285 = tpu.vector_load %arg6[%get3A_284] {strides = array<i32>} : memref<20496xf32, #tpu.memory_space<vmem>>, vector<16xf32>,
    %get3A_286 = vector.shape_cast %get3A_285 : vector<16xf32> to vector<16xf32>
    %add3A_287 = arith.constant 224 : i32
    %add3A_288 = vector.broadcast %add3A_287 : i32 to vector<16xi32>
    %add3A_289 = arith.addi %iota3A, %add3A_288 : vector<16xi32>
    %lt3A_290 = vector.broadcast %sub3A_44 : i32 to vector<16xi32>
    %lt3A_291 = arith.cmpi slt, %add3A_289, %lt3A_290 : vector<16xi32>
    %jit3A_292 = arith.constant 0.000000e+00 : f32
    %broadcast_in_dim3A_293 = vector.broadcast %jit3A_292 : f32 to vector<16xf32>
    %select_n3A_294 = arith.select %lt3A_291, %get3A_286, %broadcast_in_dim3A_293 : vector<16xi1>, vector<16xf32>
    %swap3A_295 = arith.constant 224 : index
    %swap3A_296 = tpu.vector_load %arg7[%swap3A_295] {strides = array<i32>} : memref<1024xf32, #tpu.memory_space<vmem>>, vector<16xf32>,
    %swap3A_297 = vector.shape_cast %swap3A_296 : vector<16xf32> to vector<16xf32>
    %swap3A_298 = vector.shape_cast %select_n3A_294 : vector<16xf32> to vector<16xf32>
    tpu.vector_store %arg7[%swap3A_295], %swap3A_298 {strides = array<i32>} : memref<1024xf32, #tpu.memory_space<vmem>>, vector<16xf32>,
    %add3A_299 = arith.constant 240 : i32
    %add3A_300 = arith.addi %add3A_45, %add3A_299 : i32
    %get3A_301 = arith.index_cast %add3A_300 : i32 to index
    %get3A_302 = tpu.vector_load %arg6[%get3A_301] {strides = array<i32>} : memref<20496xf32, #tpu.memory_space<vmem>>, vector<16xf32>,
    %get3A_303 = vector.shape_cast %get3A_302 : vector<16xf32> to vector<16xf32>
    %add3A_304 = arith.constant 240 : i32
    %add3A_305 = vector.broadcast %add3A_304 : i32 to vector<16xi32>
    %add3A_306 = arith.addi %iota3A, %add3A_305 : vector<16xi32>
    %lt3A_307 = vector.broadcast %sub3A_44 : i32 to vector<16xi32>
    %lt3A_308 = arith.cmpi slt, %add3A_306, %lt3A_307 : vector<16xi32>
    %jit3A_309 = arith.constant 0.000000e+00 : f32
    %broadcast_in_dim3A_310 = vector.broadcast %jit3A_309 : f32 to vector<16xf32>
    %select_n3A_311 = arith.select %lt3A_308, %get3A_303, %broadcast_in_dim3A_310 : vector<16xi1>, vector<16xf32>
    %swap3A_312 = arith.constant 240 : index
    %swap3A_313 = tpu.vector_load %arg7[%swap3A_312] {strides = array<i32>} : memref<1024xf32, #tpu.memory_space<vmem>>, vector<16xf32>,
    %swap3A_314 = vector.shape_cast %swap3A_313 : vector<16xf32> to vector<16xf32>
    %swap3A_315 = vector.shape_cast %select_n3A_311 : vector<16xf32> to vector<16xf32>
    tpu.vector_store %arg7[%swap3A_312], %swap3A_315 {strides = array<i32>} : memref<1024xf32, #tpu.memory_space<vmem>>, vector<16xf32>,
    %add3A_316 = arith.constant 256 : i32
    %add3A_317 = arith.addi %add3A_45, %add3A_316 : i32
    %get3A_318 = arith.index_cast %add3A_317 : i32 to index
    %get3A_319 = tpu.vector_load %arg6[%get3A_318] {strides = array<i32>} : memref<20496xf32, #tpu.memory_space<vmem>>, vector<16xf32>,
    %get3A_320 = vector.shape_cast %get3A_319 : vector<16xf32> to vector<16xf32>
    %add3A_321 = arith.constant 256 : i32
    %add3A_322 = vector.broadcast %add3A_321 : i32 to vector<16xi32>
    %add3A_323 = arith.addi %iota3A, %add3A_322 : vector<16xi32>
    %lt3A_324 = vector.broadcast %sub3A_44 : i32 to vector<16xi32>
    %lt3A_325 = arith.cmpi slt, %add3A_323, %lt3A_324 : vector<16xi32>
    %jit3A_326 = arith.constant 0.000000e+00 : f32
    %broadcast_in_dim3A_327 = vector.broadcast %jit3A_326 : f32 to vector<16xf32>
    %select_n3A_328 = arith.select %lt3A_325, %get3A_320, %broadcast_in_dim3A_327 : vector<16xi1>, vector<16xf32>
    %swap3A_329 = arith.constant 256 : index
    %swap3A_330 = tpu.vector_load %arg7[%swap3A_329] {strides = array<i32>} : memref<1024xf32, #tpu.memory_space<vmem>>, vector<16xf32>,
    %swap3A_331 = vector.shape_cast %swap3A_330 : vector<16xf32> to vector<16xf32>
    %swap3A_332 = vector.shape_cast %select_n3A_328 : vector<16xf32> to vector<16xf32>
    tpu.vector_store %arg7[%swap3A_329], %swap3A_332 {strides = array<i32>} : memref<1024xf32, #tpu.memory_space<vmem>>, vector<16xf32>,
    %add3A_333 = arith.constant 272 : i32
    %add3A_334 = arith.addi %add3A_45, %add3A_333 : i32
    %get3A_335 = arith.index_cast %add3A_334 : i32 to index
    %get3A_336 = tpu.vector_load %arg6[%get3A_335] {strides = array<i32>} : memref<20496xf32, #tpu.memory_space<vmem>>, vector<16xf32>,
    %get3A_337 = vector.shape_cast %get3A_336 : vector<16xf32> to vector<16xf32>
    %add3A_338 = arith.constant 272 : i32
    %add3A_339 = vector.broadcast %add3A_338 : i32 to vector<16xi32>
    %add3A_340 = arith.addi %iota3A, %add3A_339 : vector<16xi32>
    %lt3A_341 = vector.broadcast %sub3A_44 : i32 to vector<16xi32>
    %lt3A_342 = arith.cmpi slt, %add3A_340, %lt3A_341 : vector<16xi32>
    %jit3A_343 = arith.constant 0.000000e+00 : f32
    %broadcast_in_dim3A_344 = vector.broadcast %jit3A_343 : f32 to vector<16xf32>
    %select_n3A_345 = arith.select %lt3A_342, %get3A_337, %broadcast_in_dim3A_344 : vector<16xi1>, vector<16xf32>
    %swap3A_346 = arith.constant 272 : index
    %swap3A_347 = tpu.vector_load %arg7[%swap3A_346] {strides = array<i32>} : memref<1024xf32, #tpu.memory_space<vmem>>, vector<16xf32>,
    %swap3A_348 = vector.shape_cast %swap3A_347 : vector<16xf32> to vector<16xf32>
    %swap3A_349 = vector.shape_cast %select_n3A_345 : vector<16xf32> to vector<16xf32>
    tpu.vector_store %arg7[%swap3A_346], %swap3A_349 {strides = array<i32>} : memref<1024xf32, #tpu.memory_space<vmem>>, vector<16xf32>,
    %add3A_350 = arith.constant 288 : i32
    %add3A_351 = arith.addi %add3A_45, %add3A_350 : i32
    %get3A_352 = arith.index_cast %add3A_351 : i32 to index
    %get3A_353 = tpu.vector_load %arg6[%get3A_352] {strides = array<i32>} : memref<20496xf32, #tpu.memory_space<vmem>>, vector<16xf32>,
    %get3A_354 = vector.shape_cast %get3A_353 : vector<16xf32> to vector<16xf32>
    %add3A_355 = arith.constant 288 : i32
    %add3A_356 = vector.broadcast %add3A_355 : i32 to vector<16xi32>
    %add3A_357 = arith.addi %iota3A, %add3A_356 : vector<16xi32>
    %lt3A_358 = vector.broadcast %sub3A_44 : i32 to vector<16xi32>
    %lt3A_359 = arith.cmpi slt, %add3A_357, %lt3A_358 : vector<16xi32>
    %jit3A_360 = arith.constant 0.000000e+00 : f32
    %broadcast_in_dim3A_361 = vector.broadcast %jit3A_360 : f32 to vector<16xf32>
    %select_n3A_362 = arith.select %lt3A_359, %get3A_354, %broadcast_in_dim3A_361 : vector<16xi1>, vector<16xf32>
    %swap3A_363 = arith.constant 288 : index
    %swap3A_364 = tpu.vector_load %arg7[%swap3A_363] {strides = array<i32>} : memref<1024xf32, #tpu.memory_space<vmem>>, vector<16xf32>,
    %swap3A_365 = vector.shape_cast %swap3A_364 : vector<16xf32> to vector<16xf32>
    %swap3A_366 = vector.shape_cast %select_n3A_362 : vector<16xf32> to vector<16xf32>
    tpu.vector_store %arg7[%swap3A_363], %swap3A_366 {strides = array<i32>} : memref<1024xf32, #tpu.memory_space<vmem>>, vector<16xf32>,
    %add3A_367 = arith.constant 304 : i32
    %add3A_368 = arith.addi %add3A_45, %add3A_367 : i32
    %get3A_369 = arith.index_cast %add3A_368 : i32 to index
    %get3A_370 = tpu.vector_load %arg6[%get3A_369] {strides = array<i32>} : memref<20496xf32, #tpu.memory_space<vmem>>, vector<16xf32>,
    %get3A_371 = vector.shape_cast %get3A_370 : vector<16xf32> to vector<16xf32>
    %add3A_372 = arith.constant 304 : i32
    %add3A_373 = vector.broadcast %add3A_372 : i32 to vector<16xi32>
    %add3A_374 = arith.addi %iota3A, %add3A_373 : vector<16xi32>
    %lt3A_375 = vector.broadcast %sub3A_44 : i32 to vector<16xi32>
    %lt3A_376 = arith.cmpi slt, %add3A_374, %lt3A_375 : vector<16xi32>
    %jit3A_377 = arith.constant 0.000000e+00 : f32
    %broadcast_in_dim3A_378 = vector.broadcast %jit3A_377 : f32 to vector<16xf32>
    %select_n3A_379 = arith.select %lt3A_376, %get3A_371, %broadcast_in_dim3A_378 : vector<16xi1>, vector<16xf32>
    %swap3A_380 = arith.constant 304 : index
    %swap3A_381 = tpu.vector_load %arg7[%swap3A_380] {strides = array<i32>} : memref<1024xf32, #tpu.memory_space<vmem>>, vector<16xf32>,
    %swap3A_382 = vector.shape_cast %swap3A_381 : vector<16xf32> to vector<16xf32>
    %swap3A_383 = vector.shape_cast %select_n3A_379 : vector<16xf32> to vector<16xf32>
    tpu.vector_store %arg7[%swap3A_380], %swap3A_383 {strides = array<i32>} : memref<1024xf32, #tpu.memory_space<vmem>>, vector<16xf32>,
    %add3A_384 = arith.constant 320 : i32
    %add3A_385 = arith.addi %add3A_45, %add3A_384 : i32
    %get3A_386 = arith.index_cast %add3A_385 : i32 to index
    %get3A_387 = tpu.vector_load %arg6[%get3A_386] {strides = array<i32>} : memref<20496xf32, #tpu.memory_space<vmem>>, vector<16xf32>,
    %get3A_388 = vector.shape_cast %get3A_387 : vector<16xf32> to vector<16xf32>
    %add3A_389 = arith.constant 320 : i32
    %add3A_390 = vector.broadcast %add3A_389 : i32 to vector<16xi32>
    %add3A_391 = arith.addi %iota3A, %add3A_390 : vector<16xi32>
    %lt3A_392 = vector.broadcast %sub3A_44 : i32 to vector<16xi32>
    %lt3A_393 = arith.cmpi slt, %add3A_391, %lt3A_392 : vector<16xi32>
    %jit3A_394 = arith.constant 0.000000e+00 : f32
    %broadcast_in_dim3A_395 = vector.broadcast %jit3A_394 : f32 to vector<16xf32>
    %select_n3A_396 = arith.select %lt3A_393, %get3A_388, %broadcast_in_dim3A_395 : vector<16xi1>, vector<16xf32>
    %swap3A_397 = arith.constant 320 : index
    %swap3A_398 = tpu.vector_load %arg7[%swap3A_397] {strides = array<i32>} : memref<1024xf32, #tpu.memory_space<vmem>>, vector<16xf32>,
    %swap3A_399 = vector.shape_cast %swap3A_398 : vector<16xf32> to vector<16xf32>
    %swap3A_400 = vector.shape_cast %select_n3A_396 : vector<16xf32> to vector<16xf32>
    tpu.vector_store %arg7[%swap3A_397], %swap3A_400 {strides = array<i32>} : memref<1024xf32, #tpu.memory_space<vmem>>, vector<16xf32>,
    %add3A_401 = arith.constant 336 : i32
    %add3A_402 = arith.addi %add3A_45, %add3A_401 : i32
    %get3A_403 = arith.index_cast %add3A_402 : i32 to index
    %get3A_404 = tpu.vector_load %arg6[%get3A_403] {strides = array<i32>} : memref<20496xf32, #tpu.memory_space<vmem>>, vector<16xf32>,
    %get3A_405 = vector.shape_cast %get3A_404 : vector<16xf32> to vector<16xf32>
    %add3A_406 = arith.constant 336 : i32
    %add3A_407 = vector.broadcast %add3A_406 : i32 to vector<16xi32>
    %add3A_408 = arith.addi %iota3A, %add3A_407 : vector<16xi32>
    %lt3A_409 = vector.broadcast %sub3A_44 : i32 to vector<16xi32>
    %lt3A_410 = arith.cmpi slt, %add3A_408, %lt3A_409 : vector<16xi32>
    %jit3A_411 = arith.constant 0.000000e+00 : f32
    %broadcast_in_dim3A_412 = vector.broadcast %jit3A_411 : f32 to vector<16xf32>
    %select_n3A_413 = arith.select %lt3A_410, %get3A_405, %broadcast_in_dim3A_412 : vector<16xi1>, vector<16xf32>
    %swap3A_414 = arith.constant 336 : index
    %swap3A_415 = tpu.vector_load %arg7[%swap3A_414] {strides = array<i32>} : memref<1024xf32, #tpu.memory_space<vmem>>, vector<16xf32>,
    %swap3A_416 = vector.shape_cast %swap3A_415 : vector<16xf32> to vector<16xf32>
    %swap3A_417 = vector.shape_cast %select_n3A_413 : vector<16xf32> to vector<16xf32>
    tpu.vector_store %arg7[%swap3A_414], %swap3A_417 {strides = array<i32>} : memref<1024xf32, #tpu.memory_space<vmem>>, vector<16xf32>,
    %add3A_418 = arith.constant 352 : i32
    %add3A_419 = arith.addi %add3A_45, %add3A_418 : i32
    %get3A_420 = arith.index_cast %add3A_419 : i32 to index
    %get3A_421 = tpu.vector_load %arg6[%get3A_420] {strides = array<i32>} : memref<20496xf32, #tpu.memory_space<vmem>>, vector<16xf32>,
    %get3A_422 = vector.shape_cast %get3A_421 : vector<16xf32> to vector<16xf32>
    %add3A_423 = arith.constant 352 : i32
    %add3A_424 = vector.broadcast %add3A_423 : i32 to vector<16xi32>
    %add3A_425 = arith.addi %iota3A, %add3A_424 : vector<16xi32>
    %lt3A_426 = vector.broadcast %sub3A_44 : i32 to vector<16xi32>
    %lt3A_427 = arith.cmpi slt, %add3A_425, %lt3A_426 : vector<16xi32>
    %jit3A_428 = arith.constant 0.000000e+00 : f32
    %broadcast_in_dim3A_429 = vector.broadcast %jit3A_428 : f32 to vector<16xf32>
    %select_n3A_430 = arith.select %lt3A_427, %get3A_422, %broadcast_in_dim3A_429 : vector<16xi1>, vector<16xf32>
    %swap3A_431 = arith.constant 352 : index
    %swap3A_432 = tpu.vector_load %arg7[%swap3A_431] {strides = array<i32>} : memref<1024xf32, #tpu.memory_space<vmem>>, vector<16xf32>,
    %swap3A_433 = vector.shape_cast %swap3A_432 : vector<16xf32> to vector<16xf32>
    %swap3A_434 = vector.shape_cast %select_n3A_430 : vector<16xf32> to vector<16xf32>
    tpu.vector_store %arg7[%swap3A_431], %swap3A_434 {strides = array<i32>} : memref<1024xf32, #tpu.memory_space<vmem>>, vector<16xf32>,
    %add3A_435 = arith.constant 368 : i32
    %add3A_436 = arith.addi %add3A_45, %add3A_435 : i32
    %get3A_437 = arith.index_cast %add3A_436 : i32 to index
    %get3A_438 = tpu.vector_load %arg6[%get3A_437] {strides = array<i32>} : memref<20496xf32, #tpu.memory_space<vmem>>, vector<16xf32>,
    %get3A_439 = vector.shape_cast %get3A_438 : vector<16xf32> to vector<16xf32>
    %add3A_440 = arith.constant 368 : i32
    %add3A_441 = vector.broadcast %add3A_440 : i32 to vector<16xi32>
    %add3A_442 = arith.addi %iota3A, %add3A_441 : vector<16xi32>
    %lt3A_443 = vector.broadcast %sub3A_44 : i32 to vector<16xi32>
    %lt3A_444 = arith.cmpi slt, %add3A_442, %lt3A_443 : vector<16xi32>
    %jit3A_445 = arith.constant 0.000000e+00 : f32
    %broadcast_in_dim3A_446 = vector.broadcast %jit3A_445 : f32 to vector<16xf32>
    %select_n3A_447 = arith.select %lt3A_444, %get3A_439, %broadcast_in_dim3A_446 : vector<16xi1>, vector<16xf32>
    %swap3A_448 = arith.constant 368 : index
    %swap3A_449 = tpu.vector_load %arg7[%swap3A_448] {strides = array<i32>} : memref<1024xf32, #tpu.memory_space<vmem>>, vector<16xf32>,
    %swap3A_450 = vector.shape_cast %swap3A_449 : vector<16xf32> to vector<16xf32>
    %swap3A_451 = vector.shape_cast %select_n3A_447 : vector<16xf32> to vector<16xf32>
    tpu.vector_store %arg7[%swap3A_448], %swap3A_451 {strides = array<i32>} : memref<1024xf32, #tpu.memory_space<vmem>>, vector<16xf32>,
    %add3A_452 = arith.constant 384 : i32
    %add3A_453 = arith.addi %add3A_45, %add3A_452 : i32
    %get3A_454 = arith.index_cast %add3A_453 : i32 to index
    %get3A_455 = tpu.vector_load %arg6[%get3A_454] {strides = array<i32>} : memref<20496xf32, #tpu.memory_space<vmem>>, vector<16xf32>,
    %get3A_456 = vector.shape_cast %get3A_455 : vector<16xf32> to vector<16xf32>
    %add3A_457 = arith.constant 384 : i32
    %add3A_458 = vector.broadcast %add3A_457 : i32 to vector<16xi32>
    %add3A_459 = arith.addi %iota3A, %add3A_458 : vector<16xi32>
    %lt3A_460 = vector.broadcast %sub3A_44 : i32 to vector<16xi32>
    %lt3A_461 = arith.cmpi slt, %add3A_459, %lt3A_460 : vector<16xi32>
    %jit3A_462 = arith.constant 0.000000e+00 : f32
    %broadcast_in_dim3A_463 = vector.broadcast %jit3A_462 : f32 to vector<16xf32>
    %select_n3A_464 = arith.select %lt3A_461, %get3A_456, %broadcast_in_dim3A_463 : vector<16xi1>, vector<16xf32>
    %swap3A_465 = arith.constant 384 : index
    %swap3A_466 = tpu.vector_load %arg7[%swap3A_465] {strides = array<i32>} : memref<1024xf32, #tpu.memory_space<vmem>>, vector<16xf32>,
    %swap3A_467 = vector.shape_cast %swap3A_466 : vector<16xf32> to vector<16xf32>
    %swap3A_468 = vector.shape_cast %select_n3A_464 : vector<16xf32> to vector<16xf32>
    tpu.vector_store %arg7[%swap3A_465], %swap3A_468 {strides = array<i32>} : memref<1024xf32, #tpu.memory_space<vmem>>, vector<16xf32>,
    %add3A_469 = arith.constant 400 : i32
    %add3A_470 = arith.addi %add3A_45, %add3A_469 : i32
    %get3A_471 = arith.index_cast %add3A_470 : i32 to index
    %get3A_472 = tpu.vector_load %arg6[%get3A_471] {strides = array<i32>} : memref<20496xf32, #tpu.memory_space<vmem>>, vector<16xf32>,
    %get3A_473 = vector.shape_cast %get3A_472 : vector<16xf32> to vector<16xf32>
    %add3A_474 = arith.constant 400 : i32
    %add3A_475 = vector.broadcast %add3A_474 : i32 to vector<16xi32>
    %add3A_476 = arith.addi %iota3A, %add3A_475 : vector<16xi32>
    %lt3A_477 = vector.broadcast %sub3A_44 : i32 to vector<16xi32>
    %lt3A_478 = arith.cmpi slt, %add3A_476, %lt3A_477 : vector<16xi32>
    %jit3A_479 = arith.constant 0.000000e+00 : f32
    %broadcast_in_dim3A_480 = vector.broadcast %jit3A_479 : f32 to vector<16xf32>
    %select_n3A_481 = arith.select %lt3A_478, %get3A_473, %broadcast_in_dim3A_480 : vector<16xi1>, vector<16xf32>
    %swap3A_482 = arith.constant 400 : index
    %swap3A_483 = tpu.vector_load %arg7[%swap3A_482] {strides = array<i32>} : memref<1024xf32, #tpu.memory_space<vmem>>, vector<16xf32>,
    %swap3A_484 = vector.shape_cast %swap3A_483 : vector<16xf32> to vector<16xf32>
    %swap3A_485 = vector.shape_cast %select_n3A_481 : vector<16xf32> to vector<16xf32>
    tpu.vector_store %arg7[%swap3A_482], %swap3A_485 {strides = array<i32>} : memref<1024xf32, #tpu.memory_space<vmem>>, vector<16xf32>,
    %add3A_486 = arith.constant 416 : i32
    %add3A_487 = arith.addi %add3A_45, %add3A_486 : i32
    %get3A_488 = arith.index_cast %add3A_487 : i32 to index
    %get3A_489 = tpu.vector_load %arg6[%get3A_488] {strides = array<i32>} : memref<20496xf32, #tpu.memory_space<vmem>>, vector<16xf32>,
    %get3A_490 = vector.shape_cast %get3A_489 : vector<16xf32> to vector<16xf32>
    %add3A_491 = arith.constant 416 : i32
    %add3A_492 = vector.broadcast %add3A_491 : i32 to vector<16xi32>
    %add3A_493 = arith.addi %iota3A, %add3A_492 : vector<16xi32>
    %lt3A_494 = vector.broadcast %sub3A_44 : i32 to vector<16xi32>
    %lt3A_495 = arith.cmpi slt, %add3A_493, %lt3A_494 : vector<16xi32>
    %jit3A_496 = arith.constant 0.000000e+00 : f32
    %broadcast_in_dim3A_497 = vector.broadcast %jit3A_496 : f32 to vector<16xf32>
    %select_n3A_498 = arith.select %lt3A_495, %get3A_490, %broadcast_in_dim3A_497 : vector<16xi1>, vector<16xf32>
    %swap3A_499 = arith.constant 416 : index
    %swap3A_500 = tpu.vector_load %arg7[%swap3A_499] {strides = array<i32>} : memref<1024xf32, #tpu.memory_space<vmem>>, vector<16xf32>,
    %swap3A_501 = vector.shape_cast %swap3A_500 : vector<16xf32> to vector<16xf32>
    %swap3A_502 = vector.shape_cast %select_n3A_498 : vector<16xf32> to vector<16xf32>
    tpu.vector_store %arg7[%swap3A_499], %swap3A_502 {strides = array<i32>} : memref<1024xf32, #tpu.memory_space<vmem>>, vector<16xf32>,
    %add3A_503 = arith.constant 432 : i32
    %add3A_504 = arith.addi %add3A_45, %add3A_503 : i32
    %get3A_505 = arith.index_cast %add3A_504 : i32 to index
    %get3A_506 = tpu.vector_load %arg6[%get3A_505] {strides = array<i32>} : memref<20496xf32, #tpu.memory_space<vmem>>, vector<16xf32>,
    %get3A_507 = vector.shape_cast %get3A_506 : vector<16xf32> to vector<16xf32>
    %add3A_508 = arith.constant 432 : i32
    %add3A_509 = vector.broadcast %add3A_508 : i32 to vector<16xi32>
    %add3A_510 = arith.addi %iota3A, %add3A_509 : vector<16xi32>
    %lt3A_511 = vector.broadcast %sub3A_44 : i32 to vector<16xi32>
    %lt3A_512 = arith.cmpi slt, %add3A_510, %lt3A_511 : vector<16xi32>
    %jit3A_513 = arith.constant 0.000000e+00 : f32
    %broadcast_in_dim3A_514 = vector.broadcast %jit3A_513 : f32 to vector<16xf32>
    %select_n3A_515 = arith.select %lt3A_512, %get3A_507, %broadcast_in_dim3A_514 : vector<16xi1>, vector<16xf32>
    %swap3A_516 = arith.constant 432 : index
    %swap3A_517 = tpu.vector_load %arg7[%swap3A_516] {strides = array<i32>} : memref<1024xf32, #tpu.memory_space<vmem>>, vector<16xf32>,
    %swap3A_518 = vector.shape_cast %swap3A_517 : vector<16xf32> to vector<16xf32>
    %swap3A_519 = vector.shape_cast %select_n3A_515 : vector<16xf32> to vector<16xf32>
    tpu.vector_store %arg7[%swap3A_516], %swap3A_519 {strides = array<i32>} : memref<1024xf32, #tpu.memory_space<vmem>>, vector<16xf32>,
    %add3A_520 = arith.constant 448 : i32
    %add3A_521 = arith.addi %add3A_45, %add3A_520 : i32
    %get3A_522 = arith.index_cast %add3A_521 : i32 to index
    %get3A_523 = tpu.vector_load %arg6[%get3A_522] {strides = array<i32>} : memref<20496xf32, #tpu.memory_space<vmem>>, vector<16xf32>,
    %get3A_524 = vector.shape_cast %get3A_523 : vector<16xf32> to vector<16xf32>
    %add3A_525 = arith.constant 448 : i32
    %add3A_526 = vector.broadcast %add3A_525 : i32 to vector<16xi32>
    %add3A_527 = arith.addi %iota3A, %add3A_526 : vector<16xi32>
    %lt3A_528 = vector.broadcast %sub3A_44 : i32 to vector<16xi32>
    %lt3A_529 = arith.cmpi slt, %add3A_527, %lt3A_528 : vector<16xi32>
    %jit3A_530 = arith.constant 0.000000e+00 : f32
    %broadcast_in_dim3A_531 = vector.broadcast %jit3A_530 : f32 to vector<16xf32>
    %select_n3A_532 = arith.select %lt3A_529, %get3A_524, %broadcast_in_dim3A_531 : vector<16xi1>, vector<16xf32>
    %swap3A_533 = arith.constant 448 : index
    %swap3A_534 = tpu.vector_load %arg7[%swap3A_533] {strides = array<i32>} : memref<1024xf32, #tpu.memory_space<vmem>>, vector<16xf32>,
    %swap3A_535 = vector.shape_cast %swap3A_534 : vector<16xf32> to vector<16xf32>
    %swap3A_536 = vector.shape_cast %select_n3A_532 : vector<16xf32> to vector<16xf32>
    tpu.vector_store %arg7[%swap3A_533], %swap3A_536 {strides = array<i32>} : memref<1024xf32, #tpu.memory_space<vmem>>, vector<16xf32>,
    %add3A_537 = arith.constant 464 : i32
    %add3A_538 = arith.addi %add3A_45, %add3A_537 : i32
    %get3A_539 = arith.index_cast %add3A_538 : i32 to index
    %get3A_540 = tpu.vector_load %arg6[%get3A_539] {strides = array<i32>} : memref<20496xf32, #tpu.memory_space<vmem>>, vector<16xf32>,
    %get3A_541 = vector.shape_cast %get3A_540 : vector<16xf32> to vector<16xf32>
    %add3A_542 = arith.constant 464 : i32
    %add3A_543 = vector.broadcast %add3A_542 : i32 to vector<16xi32>
    %add3A_544 = arith.addi %iota3A, %add3A_543 : vector<16xi32>
    %lt3A_545 = vector.broadcast %sub3A_44 : i32 to vector<16xi32>
    %lt3A_546 = arith.cmpi slt, %add3A_544, %lt3A_545 : vector<16xi32>
    %jit3A_547 = arith.constant 0.000000e+00 : f32
    %broadcast_in_dim3A_548 = vector.broadcast %jit3A_547 : f32 to vector<16xf32>
    %select_n3A_549 = arith.select %lt3A_546, %get3A_541, %broadcast_in_dim3A_548 : vector<16xi1>, vector<16xf32>
    %swap3A_550 = arith.constant 464 : index
    %swap3A_551 = tpu.vector_load %arg7[%swap3A_550] {strides = array<i32>} : memref<1024xf32, #tpu.memory_space<vmem>>, vector<16xf32>,
    %swap3A_552 = vector.shape_cast %swap3A_551 : vector<16xf32> to vector<16xf32>
    %swap3A_553 = vector.shape_cast %select_n3A_549 : vector<16xf32> to vector<16xf32>
    tpu.vector_store %arg7[%swap3A_550], %swap3A_553 {strides = array<i32>} : memref<1024xf32, #tpu.memory_space<vmem>>, vector<16xf32>,
    %add3A_554 = arith.constant 480 : i32
    %add3A_555 = arith.addi %add3A_45, %add3A_554 : i32
    %get3A_556 = arith.index_cast %add3A_555 : i32 to index
    %get3A_557 = tpu.vector_load %arg6[%get3A_556] {strides = array<i32>} : memref<20496xf32, #tpu.memory_space<vmem>>, vector<16xf32>,
    %get3A_558 = vector.shape_cast %get3A_557 : vector<16xf32> to vector<16xf32>
    %add3A_559 = arith.constant 480 : i32
    %add3A_560 = vector.broadcast %add3A_559 : i32 to vector<16xi32>
    %add3A_561 = arith.addi %iota3A, %add3A_560 : vector<16xi32>
    %lt3A_562 = vector.broadcast %sub3A_44 : i32 to vector<16xi32>
    %lt3A_563 = arith.cmpi slt, %add3A_561, %lt3A_562 : vector<16xi32>
    %jit3A_564 = arith.constant 0.000000e+00 : f32
    %broadcast_in_dim3A_565 = vector.broadcast %jit3A_564 : f32 to vector<16xf32>
    %select_n3A_566 = arith.select %lt3A_563, %get3A_558, %broadcast_in_dim3A_565 : vector<16xi1>, vector<16xf32>
    %swap3A_567 = arith.constant 480 : index
    %swap3A_568 = tpu.vector_load %arg7[%swap3A_567] {strides = array<i32>} : memref<1024xf32, #tpu.memory_space<vmem>>, vector<16xf32>,
    %swap3A_569 = vector.shape_cast %swap3A_568 : vector<16xf32> to vector<16xf32>
    %swap3A_570 = vector.shape_cast %select_n3A_566 : vector<16xf32> to vector<16xf32>
    tpu.vector_store %arg7[%swap3A_567], %swap3A_570 {strides = array<i32>} : memref<1024xf32, #tpu.memory_space<vmem>>, vector<16xf32>,
    %add3A_571 = arith.constant 496 : i32
    %add3A_572 = arith.addi %add3A_45, %add3A_571 : i32
    %get3A_573 = arith.index_cast %add3A_572 : i32 to index
    %get3A_574 = tpu.vector_load %arg6[%get3A_573] {strides = array<i32>} : memref<20496xf32, #tpu.memory_space<vmem>>, vector<16xf32>,
    %get3A_575 = vector.shape_cast %get3A_574 : vector<16xf32> to vector<16xf32>
    %add3A_576 = arith.constant 496 : i32
    %add3A_577 = vector.broadcast %add3A_576 : i32 to vector<16xi32>
    %add3A_578 = arith.addi %iota3A, %add3A_577 : vector<16xi32>
    %lt3A_579 = vector.broadcast %sub3A_44 : i32 to vector<16xi32>
    %lt3A_580 = arith.cmpi slt, %add3A_578, %lt3A_579 : vector<16xi32>
    %jit3A_581 = arith.constant 0.000000e+00 : f32
    %broadcast_in_dim3A_582 = vector.broadcast %jit3A_581 : f32 to vector<16xf32>
    %select_n3A_583 = arith.select %lt3A_580, %get3A_575, %broadcast_in_dim3A_582 : vector<16xi1>, vector<16xf32>
    %swap3A_584 = arith.constant 496 : index
    %swap3A_585 = tpu.vector_load %arg7[%swap3A_584] {strides = array<i32>} : memref<1024xf32, #tpu.memory_space<vmem>>, vector<16xf32>,
    %swap3A_586 = vector.shape_cast %swap3A_585 : vector<16xf32> to vector<16xf32>
    %swap3A_587 = vector.shape_cast %select_n3A_583 : vector<16xf32> to vector<16xf32>
    tpu.vector_store %arg7[%swap3A_584], %swap3A_587 {strides = array<i32>} : memref<1024xf32, #tpu.memory_space<vmem>>, vector<16xf32>,
    %add3A_588 = arith.constant 512 : i32
    %add3A_589 = arith.addi %add3A_45, %add3A_588 : i32
    %get3A_590 = arith.index_cast %add3A_589 : i32 to index
    %get3A_591 = tpu.vector_load %arg6[%get3A_590] {strides = array<i32>} : memref<20496xf32, #tpu.memory_space<vmem>>, vector<16xf32>,
    %get3A_592 = vector.shape_cast %get3A_591 : vector<16xf32> to vector<16xf32>
    %add3A_593 = arith.constant 512 : i32
    %add3A_594 = vector.broadcast %add3A_593 : i32 to vector<16xi32>
    %add3A_595 = arith.addi %iota3A, %add3A_594 : vector<16xi32>
    %lt3A_596 = vector.broadcast %sub3A_44 : i32 to vector<16xi32>
    %lt3A_597 = arith.cmpi slt, %add3A_595, %lt3A_596 : vector<16xi32>
    %jit3A_598 = arith.constant 0.000000e+00 : f32
    %broadcast_in_dim3A_599 = vector.broadcast %jit3A_598 : f32 to vector<16xf32>
    %select_n3A_600 = arith.select %lt3A_597, %get3A_592, %broadcast_in_dim3A_599 : vector<16xi1>, vector<16xf32>
    %swap3A_601 = arith.constant 512 : index
    %swap3A_602 = tpu.vector_load %arg7[%swap3A_601] {strides = array<i32>} : memref<1024xf32, #tpu.memory_space<vmem>>, vector<16xf32>,
    %swap3A_603 = vector.shape_cast %swap3A_602 : vector<16xf32> to vector<16xf32>
    %swap3A_604 = vector.shape_cast %select_n3A_600 : vector<16xf32> to vector<16xf32>
    tpu.vector_store %arg7[%swap3A_601], %swap3A_604 {strides = array<i32>} : memref<1024xf32, #tpu.memory_space<vmem>>, vector<16xf32>,
    %add3A_605 = arith.constant 528 : i32
    %add3A_606 = arith.addi %add3A_45, %add3A_605 : i32
    %get3A_607 = arith.index_cast %add3A_606 : i32 to index
    %get3A_608 = tpu.vector_load %arg6[%get3A_607] {strides = array<i32>} : memref<20496xf32, #tpu.memory_space<vmem>>, vector<16xf32>,
    %get3A_609 = vector.shape_cast %get3A_608 : vector<16xf32> to vector<16xf32>
    %add3A_610 = arith.constant 528 : i32
    %add3A_611 = vector.broadcast %add3A_610 : i32 to vector<16xi32>
    %add3A_612 = arith.addi %iota3A, %add3A_611 : vector<16xi32>
    %lt3A_613 = vector.broadcast %sub3A_44 : i32 to vector<16xi32>
    %lt3A_614 = arith.cmpi slt, %add3A_612, %lt3A_613 : vector<16xi32>
    %jit3A_615 = arith.constant 0.000000e+00 : f32
    %broadcast_in_dim3A_616 = vector.broadcast %jit3A_615 : f32 to vector<16xf32>
    %select_n3A_617 = arith.select %lt3A_614, %get3A_609, %broadcast_in_dim3A_616 : vector<16xi1>, vector<16xf32>
    %swap3A_618 = arith.constant 528 : index
    %swap3A_619 = tpu.vector_load %arg7[%swap3A_618] {strides = array<i32>} : memref<1024xf32, #tpu.memory_space<vmem>>, vector<16xf32>,
    %swap3A_620 = vector.shape_cast %swap3A_619 : vector<16xf32> to vector<16xf32>
    %swap3A_621 = vector.shape_cast %select_n3A_617 : vector<16xf32> to vector<16xf32>
    tpu.vector_store %arg7[%swap3A_618], %swap3A_621 {strides = array<i32>} : memref<1024xf32, #tpu.memory_space<vmem>>, vector<16xf32>,
    %add3A_622 = arith.constant 544 : i32
    %add3A_623 = arith.addi %add3A_45, %add3A_622 : i32
    %get3A_624 = arith.index_cast %add3A_623 : i32 to index
    %get3A_625 = tpu.vector_load %arg6[%get3A_624] {strides = array<i32>} : memref<20496xf32, #tpu.memory_space<vmem>>, vector<16xf32>,
    %get3A_626 = vector.shape_cast %get3A_625 : vector<16xf32> to vector<16xf32>
    %add3A_627 = arith.constant 544 : i32
    %add3A_628 = vector.broadcast %add3A_627 : i32 to vector<16xi32>
    %add3A_629 = arith.addi %iota3A, %add3A_628 : vector<16xi32>
    %lt3A_630 = vector.broadcast %sub3A_44 : i32 to vector<16xi32>
    %lt3A_631 = arith.cmpi slt, %add3A_629, %lt3A_630 : vector<16xi32>
    %jit3A_632 = arith.constant 0.000000e+00 : f32
    %broadcast_in_dim3A_633 = vector.broadcast %jit3A_632 : f32 to vector<16xf32>
    %select_n3A_634 = arith.select %lt3A_631, %get3A_626, %broadcast_in_dim3A_633 : vector<16xi1>, vector<16xf32>
    %swap3A_635 = arith.constant 544 : index
    %swap3A_636 = tpu.vector_load %arg7[%swap3A_635] {strides = array<i32>} : memref<1024xf32, #tpu.memory_space<vmem>>, vector<16xf32>,
    %swap3A_637 = vector.shape_cast %swap3A_636 : vector<16xf32> to vector<16xf32>
    %swap3A_638 = vector.shape_cast %select_n3A_634 : vector<16xf32> to vector<16xf32>
    tpu.vector_store %arg7[%swap3A_635], %swap3A_638 {strides = array<i32>} : memref<1024xf32, #tpu.memory_space<vmem>>, vector<16xf32>,
    %add3A_639 = arith.constant 560 : i32
    %add3A_640 = arith.addi %add3A_45, %add3A_639 : i32
    %get3A_641 = arith.index_cast %add3A_640 : i32 to index
    %get3A_642 = tpu.vector_load %arg6[%get3A_641] {strides = array<i32>} : memref<20496xf32, #tpu.memory_space<vmem>>, vector<16xf32>,
    %get3A_643 = vector.shape_cast %get3A_642 : vector<16xf32> to vector<16xf32>
    %add3A_644 = arith.constant 560 : i32
    %add3A_645 = vector.broadcast %add3A_644 : i32 to vector<16xi32>
    %add3A_646 = arith.addi %iota3A, %add3A_645 : vector<16xi32>
    %lt3A_647 = vector.broadcast %sub3A_44 : i32 to vector<16xi32>
    %lt3A_648 = arith.cmpi slt, %add3A_646, %lt3A_647 : vector<16xi32>
    %jit3A_649 = arith.constant 0.000000e+00 : f32
    %broadcast_in_dim3A_650 = vector.broadcast %jit3A_649 : f32 to vector<16xf32>
    %select_n3A_651 = arith.select %lt3A_648, %get3A_643, %broadcast_in_dim3A_650 : vector<16xi1>, vector<16xf32>
    %swap3A_652 = arith.constant 560 : index
    %swap3A_653 = tpu.vector_load %arg7[%swap3A_652] {strides = array<i32>} : memref<1024xf32, #tpu.memory_space<vmem>>, vector<16xf32>,
    %swap3A_654 = vector.shape_cast %swap3A_653 : vector<16xf32> to vector<16xf32>
    %swap3A_655 = vector.shape_cast %select_n3A_651 : vector<16xf32> to vector<16xf32>
    tpu.vector_store %arg7[%swap3A_652], %swap3A_655 {strides = array<i32>} : memref<1024xf32, #tpu.memory_space<vmem>>, vector<16xf32>,
    %add3A_656 = arith.constant 576 : i32
    %add3A_657 = arith.addi %add3A_45, %add3A_656 : i32
    %get3A_658 = arith.index_cast %add3A_657 : i32 to index
    %get3A_659 = tpu.vector_load %arg6[%get3A_658] {strides = array<i32>} : memref<20496xf32, #tpu.memory_space<vmem>>, vector<16xf32>,
    %get3A_660 = vector.shape_cast %get3A_659 : vector<16xf32> to vector<16xf32>
    %add3A_661 = arith.constant 576 : i32
    %add3A_662 = vector.broadcast %add3A_661 : i32 to vector<16xi32>
    %add3A_663 = arith.addi %iota3A, %add3A_662 : vector<16xi32>
    %lt3A_664 = vector.broadcast %sub3A_44 : i32 to vector<16xi32>
    %lt3A_665 = arith.cmpi slt, %add3A_663, %lt3A_664 : vector<16xi32>
    %jit3A_666 = arith.constant 0.000000e+00 : f32
    %broadcast_in_dim3A_667 = vector.broadcast %jit3A_666 : f32 to vector<16xf32>
    %select_n3A_668 = arith.select %lt3A_665, %get3A_660, %broadcast_in_dim3A_667 : vector<16xi1>, vector<16xf32>
    %swap3A_669 = arith.constant 576 : index
    %swap3A_670 = tpu.vector_load %arg7[%swap3A_669] {strides = array<i32>} : memref<1024xf32, #tpu.memory_space<vmem>>, vector<16xf32>,
    %swap3A_671 = vector.shape_cast %swap3A_670 : vector<16xf32> to vector<16xf32>
    %swap3A_672 = vector.shape_cast %select_n3A_668 : vector<16xf32> to vector<16xf32>
    tpu.vector_store %arg7[%swap3A_669], %swap3A_672 {strides = array<i32>} : memref<1024xf32, #tpu.memory_space<vmem>>, vector<16xf32>,
    %add3A_673 = arith.constant 592 : i32
    %add3A_674 = arith.addi %add3A_45, %add3A_673 : i32
    %get3A_675 = arith.index_cast %add3A_674 : i32 to index
    %get3A_676 = tpu.vector_load %arg6[%get3A_675] {strides = array<i32>} : memref<20496xf32, #tpu.memory_space<vmem>>, vector<16xf32>,
    %get3A_677 = vector.shape_cast %get3A_676 : vector<16xf32> to vector<16xf32>
    %add3A_678 = arith.constant 592 : i32
    %add3A_679 = vector.broadcast %add3A_678 : i32 to vector<16xi32>
    %add3A_680 = arith.addi %iota3A, %add3A_679 : vector<16xi32>
    %lt3A_681 = vector.broadcast %sub3A_44 : i32 to vector<16xi32>
    %lt3A_682 = arith.cmpi slt, %add3A_680, %lt3A_681 : vector<16xi32>
    %jit3A_683 = arith.constant 0.000000e+00 : f32
    %broadcast_in_dim3A_684 = vector.broadcast %jit3A_683 : f32 to vector<16xf32>
    %select_n3A_685 = arith.select %lt3A_682, %get3A_677, %broadcast_in_dim3A_684 : vector<16xi1>, vector<16xf32>
    %swap3A_686 = arith.constant 592 : index
    %swap3A_687 = tpu.vector_load %arg7[%swap3A_686] {strides = array<i32>} : memref<1024xf32, #tpu.memory_space<vmem>>, vector<16xf32>,
    %swap3A_688 = vector.shape_cast %swap3A_687 : vector<16xf32> to vector<16xf32>
    %swap3A_689 = vector.shape_cast %select_n3A_685 : vector<16xf32> to vector<16xf32>
    tpu.vector_store %arg7[%swap3A_686], %swap3A_689 {strides = array<i32>} : memref<1024xf32, #tpu.memory_space<vmem>>, vector<16xf32>,
    %add3A_690 = arith.constant 608 : i32
    %add3A_691 = arith.addi %add3A_45, %add3A_690 : i32
    %get3A_692 = arith.index_cast %add3A_691 : i32 to index
    %get3A_693 = tpu.vector_load %arg6[%get3A_692] {strides = array<i32>} : memref<20496xf32, #tpu.memory_space<vmem>>, vector<16xf32>,
    %get3A_694 = vector.shape_cast %get3A_693 : vector<16xf32> to vector<16xf32>
    %add3A_695 = arith.constant 608 : i32
    %add3A_696 = vector.broadcast %add3A_695 : i32 to vector<16xi32>
    %add3A_697 = arith.addi %iota3A, %add3A_696 : vector<16xi32>
    %lt3A_698 = vector.broadcast %sub3A_44 : i32 to vector<16xi32>
    %lt3A_699 = arith.cmpi slt, %add3A_697, %lt3A_698 : vector<16xi32>
    %jit3A_700 = arith.constant 0.000000e+00 : f32
    %broadcast_in_dim3A_701 = vector.broadcast %jit3A_700 : f32 to vector<16xf32>
    %select_n3A_702 = arith.select %lt3A_699, %get3A_694, %broadcast_in_dim3A_701 : vector<16xi1>, vector<16xf32>
    %swap3A_703 = arith.constant 608 : index
    %swap3A_704 = tpu.vector_load %arg7[%swap3A_703] {strides = array<i32>} : memref<1024xf32, #tpu.memory_space<vmem>>, vector<16xf32>,
    %swap3A_705 = vector.shape_cast %swap3A_704 : vector<16xf32> to vector<16xf32>
    %swap3A_706 = vector.shape_cast %select_n3A_702 : vector<16xf32> to vector<16xf32>
    tpu.vector_store %arg7[%swap3A_703], %swap3A_706 {strides = array<i32>} : memref<1024xf32, #tpu.memory_space<vmem>>, vector<16xf32>,
    %add3A_707 = arith.constant 624 : i32
    %add3A_708 = arith.addi %add3A_45, %add3A_707 : i32
    %get3A_709 = arith.index_cast %add3A_708 : i32 to index
    %get3A_710 = tpu.vector_load %arg6[%get3A_709] {strides = array<i32>} : memref<20496xf32, #tpu.memory_space<vmem>>, vector<16xf32>,
    %get3A_711 = vector.shape_cast %get3A_710 : vector<16xf32> to vector<16xf32>
    %add3A_712 = arith.constant 624 : i32
    %add3A_713 = vector.broadcast %add3A_712 : i32 to vector<16xi32>
    %add3A_714 = arith.addi %iota3A, %add3A_713 : vector<16xi32>
    %lt3A_715 = vector.broadcast %sub3A_44 : i32 to vector<16xi32>
    %lt3A_716 = arith.cmpi slt, %add3A_714, %lt3A_715 : vector<16xi32>
    %jit3A_717 = arith.constant 0.000000e+00 : f32
    %broadcast_in_dim3A_718 = vector.broadcast %jit3A_717 : f32 to vector<16xf32>
    %select_n3A_719 = arith.select %lt3A_716, %get3A_711, %broadcast_in_dim3A_718 : vector<16xi1>, vector<16xf32>
    %swap3A_720 = arith.constant 624 : index
    %swap3A_721 = tpu.vector_load %arg7[%swap3A_720] {strides = array<i32>} : memref<1024xf32, #tpu.memory_space<vmem>>, vector<16xf32>,
    %swap3A_722 = vector.shape_cast %swap3A_721 : vector<16xf32> to vector<16xf32>
    %swap3A_723 = vector.shape_cast %select_n3A_719 : vector<16xf32> to vector<16xf32>
    tpu.vector_store %arg7[%swap3A_720], %swap3A_723 {strides = array<i32>} : memref<1024xf32, #tpu.memory_space<vmem>>, vector<16xf32>,
    %add3A_724 = arith.constant 640 : i32
    %add3A_725 = arith.addi %add3A_45, %add3A_724 : i32
    %get3A_726 = arith.index_cast %add3A_725 : i32 to index
    %get3A_727 = tpu.vector_load %arg6[%get3A_726] {strides = array<i32>} : memref<20496xf32, #tpu.memory_space<vmem>>, vector<16xf32>,
    %get3A_728 = vector.shape_cast %get3A_727 : vector<16xf32> to vector<16xf32>
    %add3A_729 = arith.constant 640 : i32
    %add3A_730 = vector.broadcast %add3A_729 : i32 to vector<16xi32>
    %add3A_731 = arith.addi %iota3A, %add3A_730 : vector<16xi32>
    %lt3A_732 = vector.broadcast %sub3A_44 : i32 to vector<16xi32>
    %lt3A_733 = arith.cmpi slt, %add3A_731, %lt3A_732 : vector<16xi32>
    %jit3A_734 = arith.constant 0.000000e+00 : f32
    %broadcast_in_dim3A_735 = vector.broadcast %jit3A_734 : f32 to vector<16xf32>
    %select_n3A_736 = arith.select %lt3A_733, %get3A_728, %broadcast_in_dim3A_735 : vector<16xi1>, vector<16xf32>
    %swap3A_737 = arith.constant 640 : index
    %swap3A_738 = tpu.vector_load %arg7[%swap3A_737] {strides = array<i32>} : memref<1024xf32, #tpu.memory_space<vmem>>, vector<16xf32>,
    %swap3A_739 = vector.shape_cast %swap3A_738 : vector<16xf32> to vector<16xf32>
    %swap3A_740 = vector.shape_cast %select_n3A_736 : vector<16xf32> to vector<16xf32>
    tpu.vector_store %arg7[%swap3A_737], %swap3A_740 {strides = array<i32>} : memref<1024xf32, #tpu.memory_space<vmem>>, vector<16xf32>,
    %add3A_741 = arith.constant 656 : i32
    %add3A_742 = arith.addi %add3A_45, %add3A_741 : i32
    %get3A_743 = arith.index_cast %add3A_742 : i32 to index
    %get3A_744 = tpu.vector_load %arg6[%get3A_743] {strides = array<i32>} : memref<20496xf32, #tpu.memory_space<vmem>>, vector<16xf32>,
    %get3A_745 = vector.shape_cast %get3A_744 : vector<16xf32> to vector<16xf32>
    %add3A_746 = arith.constant 656 : i32
    %add3A_747 = vector.broadcast %add3A_746 : i32 to vector<16xi32>
    %add3A_748 = arith.addi %iota3A, %add3A_747 : vector<16xi32>
    %lt3A_749 = vector.broadcast %sub3A_44 : i32 to vector<16xi32>
    %lt3A_750 = arith.cmpi slt, %add3A_748, %lt3A_749 : vector<16xi32>
    %jit3A_751 = arith.constant 0.000000e+00 : f32
    %broadcast_in_dim3A_752 = vector.broadcast %jit3A_751 : f32 to vector<16xf32>
    %select_n3A_753 = arith.select %lt3A_750, %get3A_745, %broadcast_in_dim3A_752 : vector<16xi1>, vector<16xf32>
    %swap3A_754 = arith.constant 656 : index
    %swap3A_755 = tpu.vector_load %arg7[%swap3A_754] {strides = array<i32>} : memref<1024xf32, #tpu.memory_space<vmem>>, vector<16xf32>,
    %swap3A_756 = vector.shape_cast %swap3A_755 : vector<16xf32> to vector<16xf32>
    %swap3A_757 = vector.shape_cast %select_n3A_753 : vector<16xf32> to vector<16xf32>
    tpu.vector_store %arg7[%swap3A_754], %swap3A_757 {strides = array<i32>} : memref<1024xf32, #tpu.memory_space<vmem>>, vector<16xf32>,
    %add3A_758 = arith.constant 672 : i32
    %add3A_759 = arith.addi %add3A_45, %add3A_758 : i32
    %get3A_760 = arith.index_cast %add3A_759 : i32 to index
    %get3A_761 = tpu.vector_load %arg6[%get3A_760] {strides = array<i32>} : memref<20496xf32, #tpu.memory_space<vmem>>, vector<16xf32>,
    %get3A_762 = vector.shape_cast %get3A_761 : vector<16xf32> to vector<16xf32>
    %add3A_763 = arith.constant 672 : i32
    %add3A_764 = vector.broadcast %add3A_763 : i32 to vector<16xi32>
    %add3A_765 = arith.addi %iota3A, %add3A_764 : vector<16xi32>
    %lt3A_766 = vector.broadcast %sub3A_44 : i32 to vector<16xi32>
    %lt3A_767 = arith.cmpi slt, %add3A_765, %lt3A_766 : vector<16xi32>
    %jit3A_768 = arith.constant 0.000000e+00 : f32
    %broadcast_in_dim3A_769 = vector.broadcast %jit3A_768 : f32 to vector<16xf32>
    %select_n3A_770 = arith.select %lt3A_767, %get3A_762, %broadcast_in_dim3A_769 : vector<16xi1>, vector<16xf32>
    %swap3A_771 = arith.constant 672 : index
    %swap3A_772 = tpu.vector_load %arg7[%swap3A_771] {strides = array<i32>} : memref<1024xf32, #tpu.memory_space<vmem>>, vector<16xf32>,
    %swap3A_773 = vector.shape_cast %swap3A_772 : vector<16xf32> to vector<16xf32>
    %swap3A_774 = vector.shape_cast %select_n3A_770 : vector<16xf32> to vector<16xf32>
    tpu.vector_store %arg7[%swap3A_771], %swap3A_774 {strides = array<i32>} : memref<1024xf32, #tpu.memory_space<vmem>>, vector<16xf32>,
    %add3A_775 = arith.constant 688 : i32
    %add3A_776 = arith.addi %add3A_45, %add3A_775 : i32
    %get3A_777 = arith.index_cast %add3A_776 : i32 to index
    %get3A_778 = tpu.vector_load %arg6[%get3A_777] {strides = array<i32>} : memref<20496xf32, #tpu.memory_space<vmem>>, vector<16xf32>,
    %get3A_779 = vector.shape_cast %get3A_778 : vector<16xf32> to vector<16xf32>
    %add3A_780 = arith.constant 688 : i32
    %add3A_781 = vector.broadcast %add3A_780 : i32 to vector<16xi32>
    %add3A_782 = arith.addi %iota3A, %add3A_781 : vector<16xi32>
    %lt3A_783 = vector.broadcast %sub3A_44 : i32 to vector<16xi32>
    %lt3A_784 = arith.cmpi slt, %add3A_782, %lt3A_783 : vector<16xi32>
    %jit3A_785 = arith.constant 0.000000e+00 : f32
    %broadcast_in_dim3A_786 = vector.broadcast %jit3A_785 : f32 to vector<16xf32>
    %select_n3A_787 = arith.select %lt3A_784, %get3A_779, %broadcast_in_dim3A_786 : vector<16xi1>, vector<16xf32>
    %swap3A_788 = arith.constant 688 : index
    %swap3A_789 = tpu.vector_load %arg7[%swap3A_788] {strides = array<i32>} : memref<1024xf32, #tpu.memory_space<vmem>>, vector<16xf32>,
    %swap3A_790 = vector.shape_cast %swap3A_789 : vector<16xf32> to vector<16xf32>
    %swap3A_791 = vector.shape_cast %select_n3A_787 : vector<16xf32> to vector<16xf32>
    tpu.vector_store %arg7[%swap3A_788], %swap3A_791 {strides = array<i32>} : memref<1024xf32, #tpu.memory_space<vmem>>, vector<16xf32>,
    %add3A_792 = arith.constant 704 : i32
    %add3A_793 = arith.addi %add3A_45, %add3A_792 : i32
    %get3A_794 = arith.index_cast %add3A_793 : i32 to index
    %get3A_795 = tpu.vector_load %arg6[%get3A_794] {strides = array<i32>} : memref<20496xf32, #tpu.memory_space<vmem>>, vector<16xf32>,
    %get3A_796 = vector.shape_cast %get3A_795 : vector<16xf32> to vector<16xf32>
    %add3A_797 = arith.constant 704 : i32
    %add3A_798 = vector.broadcast %add3A_797 : i32 to vector<16xi32>
    %add3A_799 = arith.addi %iota3A, %add3A_798 : vector<16xi32>
    %lt3A_800 = vector.broadcast %sub3A_44 : i32 to vector<16xi32>
    %lt3A_801 = arith.cmpi slt, %add3A_799, %lt3A_800 : vector<16xi32>
    %jit3A_802 = arith.constant 0.000000e+00 : f32
    %broadcast_in_dim3A_803 = vector.broadcast %jit3A_802 : f32 to vector<16xf32>
    %select_n3A_804 = arith.select %lt3A_801, %get3A_796, %broadcast_in_dim3A_803 : vector<16xi1>, vector<16xf32>
    %swap3A_805 = arith.constant 704 : index
    %swap3A_806 = tpu.vector_load %arg7[%swap3A_805] {strides = array<i32>} : memref<1024xf32, #tpu.memory_space<vmem>>, vector<16xf32>,
    %swap3A_807 = vector.shape_cast %swap3A_806 : vector<16xf32> to vector<16xf32>
    %swap3A_808 = vector.shape_cast %select_n3A_804 : vector<16xf32> to vector<16xf32>
    tpu.vector_store %arg7[%swap3A_805], %swap3A_808 {strides = array<i32>} : memref<1024xf32, #tpu.memory_space<vmem>>, vector<16xf32>,
    %add3A_809 = arith.constant 720 : i32
    %add3A_810 = arith.addi %add3A_45, %add3A_809 : i32
    %get3A_811 = arith.index_cast %add3A_810 : i32 to index
    %get3A_812 = tpu.vector_load %arg6[%get3A_811] {strides = array<i32>} : memref<20496xf32, #tpu.memory_space<vmem>>, vector<16xf32>,
    %get3A_813 = vector.shape_cast %get3A_812 : vector<16xf32> to vector<16xf32>
    %add3A_814 = arith.constant 720 : i32
    %add3A_815 = vector.broadcast %add3A_814 : i32 to vector<16xi32>
    %add3A_816 = arith.addi %iota3A, %add3A_815 : vector<16xi32>
    %lt3A_817 = vector.broadcast %sub3A_44 : i32 to vector<16xi32>
    %lt3A_818 = arith.cmpi slt, %add3A_816, %lt3A_817 : vector<16xi32>
    %jit3A_819 = arith.constant 0.000000e+00 : f32
    %broadcast_in_dim3A_820 = vector.broadcast %jit3A_819 : f32 to vector<16xf32>
    %select_n3A_821 = arith.select %lt3A_818, %get3A_813, %broadcast_in_dim3A_820 : vector<16xi1>, vector<16xf32>
    %swap3A_822 = arith.constant 720 : index
    %swap3A_823 = tpu.vector_load %arg7[%swap3A_822] {strides = array<i32>} : memref<1024xf32, #tpu.memory_space<vmem>>, vector<16xf32>,
    %swap3A_824 = vector.shape_cast %swap3A_823 : vector<16xf32> to vector<16xf32>
    %swap3A_825 = vector.shape_cast %select_n3A_821 : vector<16xf32> to vector<16xf32>
    tpu.vector_store %arg7[%swap3A_822], %swap3A_825 {strides = array<i32>} : memref<1024xf32, #tpu.memory_space<vmem>>, vector<16xf32>,
    %add3A_826 = arith.constant 736 : i32
    %add3A_827 = arith.addi %add3A_45, %add3A_826 : i32
    %get3A_828 = arith.index_cast %add3A_827 : i32 to index
    %get3A_829 = tpu.vector_load %arg6[%get3A_828] {strides = array<i32>} : memref<20496xf32, #tpu.memory_space<vmem>>, vector<16xf32>,
    %get3A_830 = vector.shape_cast %get3A_829 : vector<16xf32> to vector<16xf32>
    %add3A_831 = arith.constant 736 : i32
    %add3A_832 = vector.broadcast %add3A_831 : i32 to vector<16xi32>
    %add3A_833 = arith.addi %iota3A, %add3A_832 : vector<16xi32>
    %lt3A_834 = vector.broadcast %sub3A_44 : i32 to vector<16xi32>
    %lt3A_835 = arith.cmpi slt, %add3A_833, %lt3A_834 : vector<16xi32>
    %jit3A_836 = arith.constant 0.000000e+00 : f32
    %broadcast_in_dim3A_837 = vector.broadcast %jit3A_836 : f32 to vector<16xf32>
    %select_n3A_838 = arith.select %lt3A_835, %get3A_830, %broadcast_in_dim3A_837 : vector<16xi1>, vector<16xf32>
    %swap3A_839 = arith.constant 736 : index
    %swap3A_840 = tpu.vector_load %arg7[%swap3A_839] {strides = array<i32>} : memref<1024xf32, #tpu.memory_space<vmem>>, vector<16xf32>,
    %swap3A_841 = vector.shape_cast %swap3A_840 : vector<16xf32> to vector<16xf32>
    %swap3A_842 = vector.shape_cast %select_n3A_838 : vector<16xf32> to vector<16xf32>
    tpu.vector_store %arg7[%swap3A_839], %swap3A_842 {strides = array<i32>} : memref<1024xf32, #tpu.memory_space<vmem>>, vector<16xf32>,
    %add3A_843 = arith.constant 752 : i32
    %add3A_844 = arith.addi %add3A_45, %add3A_843 : i32
    %get3A_845 = arith.index_cast %add3A_844 : i32 to index
    %get3A_846 = tpu.vector_load %arg6[%get3A_845] {strides = array<i32>} : memref<20496xf32, #tpu.memory_space<vmem>>, vector<16xf32>,
    %get3A_847 = vector.shape_cast %get3A_846 : vector<16xf32> to vector<16xf32>
    %add3A_848 = arith.constant 752 : i32
    %add3A_849 = vector.broadcast %add3A_848 : i32 to vector<16xi32>
    %add3A_850 = arith.addi %iota3A, %add3A_849 : vector<16xi32>
    %lt3A_851 = vector.broadcast %sub3A_44 : i32 to vector<16xi32>
    %lt3A_852 = arith.cmpi slt, %add3A_850, %lt3A_851 : vector<16xi32>
    %jit3A_853 = arith.constant 0.000000e+00 : f32
    %broadcast_in_dim3A_854 = vector.broadcast %jit3A_853 : f32 to vector<16xf32>
    %select_n3A_855 = arith.select %lt3A_852, %get3A_847, %broadcast_in_dim3A_854 : vector<16xi1>, vector<16xf32>
    %swap3A_856 = arith.constant 752 : index
    %swap3A_857 = tpu.vector_load %arg7[%swap3A_856] {strides = array<i32>} : memref<1024xf32, #tpu.memory_space<vmem>>, vector<16xf32>,
    %swap3A_858 = vector.shape_cast %swap3A_857 : vector<16xf32> to vector<16xf32>
    %swap3A_859 = vector.shape_cast %select_n3A_855 : vector<16xf32> to vector<16xf32>
    tpu.vector_store %arg7[%swap3A_856], %swap3A_859 {strides = array<i32>} : memref<1024xf32, #tpu.memory_space<vmem>>, vector<16xf32>,
    %add3A_860 = arith.constant 768 : i32
    %add3A_861 = arith.addi %add3A_45, %add3A_860 : i32
    %get3A_862 = arith.index_cast %add3A_861 : i32 to index
    %get3A_863 = tpu.vector_load %arg6[%get3A_862] {strides = array<i32>} : memref<20496xf32, #tpu.memory_space<vmem>>, vector<16xf32>,
    %get3A_864 = vector.shape_cast %get3A_863 : vector<16xf32> to vector<16xf32>
    %add3A_865 = arith.constant 768 : i32
    %add3A_866 = vector.broadcast %add3A_865 : i32 to vector<16xi32>
    %add3A_867 = arith.addi %iota3A, %add3A_866 : vector<16xi32>
    %lt3A_868 = vector.broadcast %sub3A_44 : i32 to vector<16xi32>
    %lt3A_869 = arith.cmpi slt, %add3A_867, %lt3A_868 : vector<16xi32>
    %jit3A_870 = arith.constant 0.000000e+00 : f32
    %broadcast_in_dim3A_871 = vector.broadcast %jit3A_870 : f32 to vector<16xf32>
    %select_n3A_872 = arith.select %lt3A_869, %get3A_864, %broadcast_in_dim3A_871 : vector<16xi1>, vector<16xf32>
    %swap3A_873 = arith.constant 768 : index
    %swap3A_874 = tpu.vector_load %arg7[%swap3A_873] {strides = array<i32>} : memref<1024xf32, #tpu.memory_space<vmem>>, vector<16xf32>,
    %swap3A_875 = vector.shape_cast %swap3A_874 : vector<16xf32> to vector<16xf32>
    %swap3A_876 = vector.shape_cast %select_n3A_872 : vector<16xf32> to vector<16xf32>
    tpu.vector_store %arg7[%swap3A_873], %swap3A_876 {strides = array<i32>} : memref<1024xf32, #tpu.memory_space<vmem>>, vector<16xf32>,
    %add3A_877 = arith.constant 784 : i32
    %add3A_878 = arith.addi %add3A_45, %add3A_877 : i32
    %get3A_879 = arith.index_cast %add3A_878 : i32 to index
    %get3A_880 = tpu.vector_load %arg6[%get3A_879] {strides = array<i32>} : memref<20496xf32, #tpu.memory_space<vmem>>, vector<16xf32>,
    %get3A_881 = vector.shape_cast %get3A_880 : vector<16xf32> to vector<16xf32>
    %add3A_882 = arith.constant 784 : i32
    %add3A_883 = vector.broadcast %add3A_882 : i32 to vector<16xi32>
    %add3A_884 = arith.addi %iota3A, %add3A_883 : vector<16xi32>
    %lt3A_885 = vector.broadcast %sub3A_44 : i32 to vector<16xi32>
    %lt3A_886 = arith.cmpi slt, %add3A_884, %lt3A_885 : vector<16xi32>
    %jit3A_887 = arith.constant 0.000000e+00 : f32
    %broadcast_in_dim3A_888 = vector.broadcast %jit3A_887 : f32 to vector<16xf32>
    %select_n3A_889 = arith.select %lt3A_886, %get3A_881, %broadcast_in_dim3A_888 : vector<16xi1>, vector<16xf32>
    %swap3A_890 = arith.constant 784 : index
    %swap3A_891 = tpu.vector_load %arg7[%swap3A_890] {strides = array<i32>} : memref<1024xf32, #tpu.memory_space<vmem>>, vector<16xf32>,
    %swap3A_892 = vector.shape_cast %swap3A_891 : vector<16xf32> to vector<16xf32>
    %swap3A_893 = vector.shape_cast %select_n3A_889 : vector<16xf32> to vector<16xf32>
    tpu.vector_store %arg7[%swap3A_890], %swap3A_893 {strides = array<i32>} : memref<1024xf32, #tpu.memory_space<vmem>>, vector<16xf32>,
    %add3A_894 = arith.constant 800 : i32
    %add3A_895 = arith.addi %add3A_45, %add3A_894 : i32
    %get3A_896 = arith.index_cast %add3A_895 : i32 to index
    %get3A_897 = tpu.vector_load %arg6[%get3A_896] {strides = array<i32>} : memref<20496xf32, #tpu.memory_space<vmem>>, vector<16xf32>,
    %get3A_898 = vector.shape_cast %get3A_897 : vector<16xf32> to vector<16xf32>
    %add3A_899 = arith.constant 800 : i32
    %add3A_900 = vector.broadcast %add3A_899 : i32 to vector<16xi32>
    %add3A_901 = arith.addi %iota3A, %add3A_900 : vector<16xi32>
    %lt3A_902 = vector.broadcast %sub3A_44 : i32 to vector<16xi32>
    %lt3A_903 = arith.cmpi slt, %add3A_901, %lt3A_902 : vector<16xi32>
    %jit3A_904 = arith.constant 0.000000e+00 : f32
    %broadcast_in_dim3A_905 = vector.broadcast %jit3A_904 : f32 to vector<16xf32>
    %select_n3A_906 = arith.select %lt3A_903, %get3A_898, %broadcast_in_dim3A_905 : vector<16xi1>, vector<16xf32>
    %swap3A_907 = arith.constant 800 : index
    %swap3A_908 = tpu.vector_load %arg7[%swap3A_907] {strides = array<i32>} : memref<1024xf32, #tpu.memory_space<vmem>>, vector<16xf32>,
    %swap3A_909 = vector.shape_cast %swap3A_908 : vector<16xf32> to vector<16xf32>
    %swap3A_910 = vector.shape_cast %select_n3A_906 : vector<16xf32> to vector<16xf32>
    tpu.vector_store %arg7[%swap3A_907], %swap3A_910 {strides = array<i32>} : memref<1024xf32, #tpu.memory_space<vmem>>, vector<16xf32>,
    %add3A_911 = arith.constant 816 : i32
    %add3A_912 = arith.addi %add3A_45, %add3A_911 : i32
    %get3A_913 = arith.index_cast %add3A_912 : i32 to index
    %get3A_914 = tpu.vector_load %arg6[%get3A_913] {strides = array<i32>} : memref<20496xf32, #tpu.memory_space<vmem>>, vector<16xf32>,
    %get3A_915 = vector.shape_cast %get3A_914 : vector<16xf32> to vector<16xf32>
    %add3A_916 = arith.constant 816 : i32
    %add3A_917 = vector.broadcast %add3A_916 : i32 to vector<16xi32>
    %add3A_918 = arith.addi %iota3A, %add3A_917 : vector<16xi32>
    %lt3A_919 = vector.broadcast %sub3A_44 : i32 to vector<16xi32>
    %lt3A_920 = arith.cmpi slt, %add3A_918, %lt3A_919 : vector<16xi32>
    %jit3A_921 = arith.constant 0.000000e+00 : f32
    %broadcast_in_dim3A_922 = vector.broadcast %jit3A_921 : f32 to vector<16xf32>
    %select_n3A_923 = arith.select %lt3A_920, %get3A_915, %broadcast_in_dim3A_922 : vector<16xi1>, vector<16xf32>
    %swap3A_924 = arith.constant 816 : index
    %swap3A_925 = tpu.vector_load %arg7[%swap3A_924] {strides = array<i32>} : memref<1024xf32, #tpu.memory_space<vmem>>, vector<16xf32>,
    %swap3A_926 = vector.shape_cast %swap3A_925 : vector<16xf32> to vector<16xf32>
    %swap3A_927 = vector.shape_cast %select_n3A_923 : vector<16xf32> to vector<16xf32>
    tpu.vector_store %arg7[%swap3A_924], %swap3A_927 {strides = array<i32>} : memref<1024xf32, #tpu.memory_space<vmem>>, vector<16xf32>,
    %add3A_928 = arith.constant 832 : i32
    %add3A_929 = arith.addi %add3A_45, %add3A_928 : i32
    %get3A_930 = arith.index_cast %add3A_929 : i32 to index
    %get3A_931 = tpu.vector_load %arg6[%get3A_930] {strides = array<i32>} : memref<20496xf32, #tpu.memory_space<vmem>>, vector<16xf32>,
    %get3A_932 = vector.shape_cast %get3A_931 : vector<16xf32> to vector<16xf32>
    %add3A_933 = arith.constant 832 : i32
    %add3A_934 = vector.broadcast %add3A_933 : i32 to vector<16xi32>
    %add3A_935 = arith.addi %iota3A, %add3A_934 : vector<16xi32>
    %lt3A_936 = vector.broadcast %sub3A_44 : i32 to vector<16xi32>
    %lt3A_937 = arith.cmpi slt, %add3A_935, %lt3A_936 : vector<16xi32>
    %jit3A_938 = arith.constant 0.000000e+00 : f32
    %broadcast_in_dim3A_939 = vector.broadcast %jit3A_938 : f32 to vector<16xf32>
    %select_n3A_940 = arith.select %lt3A_937, %get3A_932, %broadcast_in_dim3A_939 : vector<16xi1>, vector<16xf32>
    %swap3A_941 = arith.constant 832 : index
    %swap3A_942 = tpu.vector_load %arg7[%swap3A_941] {strides = array<i32>} : memref<1024xf32, #tpu.memory_space<vmem>>, vector<16xf32>,
    %swap3A_943 = vector.shape_cast %swap3A_942 : vector<16xf32> to vector<16xf32>
    %swap3A_944 = vector.shape_cast %select_n3A_940 : vector<16xf32> to vector<16xf32>
    tpu.vector_store %arg7[%swap3A_941], %swap3A_944 {strides = array<i32>} : memref<1024xf32, #tpu.memory_space<vmem>>, vector<16xf32>,
    %add3A_945 = arith.constant 848 : i32
    %add3A_946 = arith.addi %add3A_45, %add3A_945 : i32
    %get3A_947 = arith.index_cast %add3A_946 : i32 to index
    %get3A_948 = tpu.vector_load %arg6[%get3A_947] {strides = array<i32>} : memref<20496xf32, #tpu.memory_space<vmem>>, vector<16xf32>,
    %get3A_949 = vector.shape_cast %get3A_948 : vector<16xf32> to vector<16xf32>
    %add3A_950 = arith.constant 848 : i32
    %add3A_951 = vector.broadcast %add3A_950 : i32 to vector<16xi32>
    %add3A_952 = arith.addi %iota3A, %add3A_951 : vector<16xi32>
    %lt3A_953 = vector.broadcast %sub3A_44 : i32 to vector<16xi32>
    %lt3A_954 = arith.cmpi slt, %add3A_952, %lt3A_953 : vector<16xi32>
    %jit3A_955 = arith.constant 0.000000e+00 : f32
    %broadcast_in_dim3A_956 = vector.broadcast %jit3A_955 : f32 to vector<16xf32>
    %select_n3A_957 = arith.select %lt3A_954, %get3A_949, %broadcast_in_dim3A_956 : vector<16xi1>, vector<16xf32>
    %swap3A_958 = arith.constant 848 : index
    %swap3A_959 = tpu.vector_load %arg7[%swap3A_958] {strides = array<i32>} : memref<1024xf32, #tpu.memory_space<vmem>>, vector<16xf32>,
    %swap3A_960 = vector.shape_cast %swap3A_959 : vector<16xf32> to vector<16xf32>
    %swap3A_961 = vector.shape_cast %select_n3A_957 : vector<16xf32> to vector<16xf32>
    tpu.vector_store %arg7[%swap3A_958], %swap3A_961 {strides = array<i32>} : memref<1024xf32, #tpu.memory_space<vmem>>, vector<16xf32>,
    %add3A_962 = arith.constant 864 : i32
    %add3A_963 = arith.addi %add3A_45, %add3A_962 : i32
    %get3A_964 = arith.index_cast %add3A_963 : i32 to index
    %get3A_965 = tpu.vector_load %arg6[%get3A_964] {strides = array<i32>} : memref<20496xf32, #tpu.memory_space<vmem>>, vector<16xf32>,
    %get3A_966 = vector.shape_cast %get3A_965 : vector<16xf32> to vector<16xf32>
    %add3A_967 = arith.constant 864 : i32
    %add3A_968 = vector.broadcast %add3A_967 : i32 to vector<16xi32>
    %add3A_969 = arith.addi %iota3A, %add3A_968 : vector<16xi32>
    %lt3A_970 = vector.broadcast %sub3A_44 : i32 to vector<16xi32>
    %lt3A_971 = arith.cmpi slt, %add3A_969, %lt3A_970 : vector<16xi32>
    %jit3A_972 = arith.constant 0.000000e+00 : f32
    %broadcast_in_dim3A_973 = vector.broadcast %jit3A_972 : f32 to vector<16xf32>
    %select_n3A_974 = arith.select %lt3A_971, %get3A_966, %broadcast_in_dim3A_973 : vector<16xi1>, vector<16xf32>
    %swap3A_975 = arith.constant 864 : index
    %swap3A_976 = tpu.vector_load %arg7[%swap3A_975] {strides = array<i32>} : memref<1024xf32, #tpu.memory_space<vmem>>, vector<16xf32>,
    %swap3A_977 = vector.shape_cast %swap3A_976 : vector<16xf32> to vector<16xf32>
    %swap3A_978 = vector.shape_cast %select_n3A_974 : vector<16xf32> to vector<16xf32>
    tpu.vector_store %arg7[%swap3A_975], %swap3A_978 {strides = array<i32>} : memref<1024xf32, #tpu.memory_space<vmem>>, vector<16xf32>,
    %add3A_979 = arith.constant 880 : i32
    %add3A_980 = arith.addi %add3A_45, %add3A_979 : i32
    %get3A_981 = arith.index_cast %add3A_980 : i32 to index
    %get3A_982 = tpu.vector_load %arg6[%get3A_981] {strides = array<i32>} : memref<20496xf32, #tpu.memory_space<vmem>>, vector<16xf32>,
    %get3A_983 = vector.shape_cast %get3A_982 : vector<16xf32> to vector<16xf32>
    %add3A_984 = arith.constant 880 : i32
    %add3A_985 = vector.broadcast %add3A_984 : i32 to vector<16xi32>
    %add3A_986 = arith.addi %iota3A, %add3A_985 : vector<16xi32>
    %lt3A_987 = vector.broadcast %sub3A_44 : i32 to vector<16xi32>
    %lt3A_988 = arith.cmpi slt, %add3A_986, %lt3A_987 : vector<16xi32>
    %jit3A_989 = arith.constant 0.000000e+00 : f32
    %broadcast_in_dim3A_990 = vector.broadcast %jit3A_989 : f32 to vector<16xf32>
    %select_n3A_991 = arith.select %lt3A_988, %get3A_983, %broadcast_in_dim3A_990 : vector<16xi1>, vector<16xf32>
    %swap3A_992 = arith.constant 880 : index
    %swap3A_993 = tpu.vector_load %arg7[%swap3A_992] {strides = array<i32>} : memref<1024xf32, #tpu.memory_space<vmem>>, vector<16xf32>,
    %swap3A_994 = vector.shape_cast %swap3A_993 : vector<16xf32> to vector<16xf32>
    %swap3A_995 = vector.shape_cast %select_n3A_991 : vector<16xf32> to vector<16xf32>
    tpu.vector_store %arg7[%swap3A_992], %swap3A_995 {strides = array<i32>} : memref<1024xf32, #tpu.memory_space<vmem>>, vector<16xf32>,
    %add3A_996 = arith.constant 896 : i32
    %add3A_997 = arith.addi %add3A_45, %add3A_996 : i32
    %get3A_998 = arith.index_cast %add3A_997 : i32 to index
    %get3A_999 = tpu.vector_load %arg6[%get3A_998] {strides = array<i32>} : memref<20496xf32, #tpu.memory_space<vmem>>, vector<16xf32>,
    %get3A_1000 = vector.shape_cast %get3A_999 : vector<16xf32> to vector<16xf32>
    %add3A_1001 = arith.constant 896 : i32
    %add3A_1002 = vector.broadcast %add3A_1001 : i32 to vector<16xi32>
    %add3A_1003 = arith.addi %iota3A, %add3A_1002 : vector<16xi32>
    %lt3A_1004 = vector.broadcast %sub3A_44 : i32 to vector<16xi32>
    %lt3A_1005 = arith.cmpi slt, %add3A_1003, %lt3A_1004 : vector<16xi32>
    %jit3A_1006 = arith.constant 0.000000e+00 : f32
    %broadcast_in_dim3A_1007 = vector.broadcast %jit3A_1006 : f32 to vector<16xf32>
    %select_n3A_1008 = arith.select %lt3A_1005, %get3A_1000, %broadcast_in_dim3A_1007 : vector<16xi1>, vector<16xf32>
    %swap3A_1009 = arith.constant 896 : index
    %swap3A_1010 = tpu.vector_load %arg7[%swap3A_1009] {strides = array<i32>} : memref<1024xf32, #tpu.memory_space<vmem>>, vector<16xf32>,
    %swap3A_1011 = vector.shape_cast %swap3A_1010 : vector<16xf32> to vector<16xf32>
    %swap3A_1012 = vector.shape_cast %select_n3A_1008 : vector<16xf32> to vector<16xf32>
    tpu.vector_store %arg7[%swap3A_1009], %swap3A_1012 {strides = array<i32>} : memref<1024xf32, #tpu.memory_space<vmem>>, vector<16xf32>,
    %add3A_1013 = arith.constant 912 : i32
    %add3A_1014 = arith.addi %add3A_45, %add3A_1013 : i32
    %get3A_1015 = arith.index_cast %add3A_1014 : i32 to index
    %get3A_1016 = tpu.vector_load %arg6[%get3A_1015] {strides = array<i32>} : memref<20496xf32, #tpu.memory_space<vmem>>, vector<16xf32>,
    %get3A_1017 = vector.shape_cast %get3A_1016 : vector<16xf32> to vector<16xf32>
    %add3A_1018 = arith.constant 912 : i32
    %add3A_1019 = vector.broadcast %add3A_1018 : i32 to vector<16xi32>
    %add3A_1020 = arith.addi %iota3A, %add3A_1019 : vector<16xi32>
    %lt3A_1021 = vector.broadcast %sub3A_44 : i32 to vector<16xi32>
    %lt3A_1022 = arith.cmpi slt, %add3A_1020, %lt3A_1021 : vector<16xi32>
    %jit3A_1023 = arith.constant 0.000000e+00 : f32
    %broadcast_in_dim3A_1024 = vector.broadcast %jit3A_1023 : f32 to vector<16xf32>
    %select_n3A_1025 = arith.select %lt3A_1022, %get3A_1017, %broadcast_in_dim3A_1024 : vector<16xi1>, vector<16xf32>
    %swap3A_1026 = arith.constant 912 : index
    %swap3A_1027 = tpu.vector_load %arg7[%swap3A_1026] {strides = array<i32>} : memref<1024xf32, #tpu.memory_space<vmem>>, vector<16xf32>,
    %swap3A_1028 = vector.shape_cast %swap3A_1027 : vector<16xf32> to vector<16xf32>
    %swap3A_1029 = vector.shape_cast %select_n3A_1025 : vector<16xf32> to vector<16xf32>
    tpu.vector_store %arg7[%swap3A_1026], %swap3A_1029 {strides = array<i32>} : memref<1024xf32, #tpu.memory_space<vmem>>, vector<16xf32>,
    %add3A_1030 = arith.constant 928 : i32
    %add3A_1031 = arith.addi %add3A_45, %add3A_1030 : i32
    %get3A_1032 = arith.index_cast %add3A_1031 : i32 to index
    %get3A_1033 = tpu.vector_load %arg6[%get3A_1032] {strides = array<i32>} : memref<20496xf32, #tpu.memory_space<vmem>>, vector<16xf32>,
    %get3A_1034 = vector.shape_cast %get3A_1033 : vector<16xf32> to vector<16xf32>
    %add3A_1035 = arith.constant 928 : i32
    %add3A_1036 = vector.broadcast %add3A_1035 : i32 to vector<16xi32>
    %add3A_1037 = arith.addi %iota3A, %add3A_1036 : vector<16xi32>
    %lt3A_1038 = vector.broadcast %sub3A_44 : i32 to vector<16xi32>
    %lt3A_1039 = arith.cmpi slt, %add3A_1037, %lt3A_1038 : vector<16xi32>
    %jit3A_1040 = arith.constant 0.000000e+00 : f32
    %broadcast_in_dim3A_1041 = vector.broadcast %jit3A_1040 : f32 to vector<16xf32>
    %select_n3A_1042 = arith.select %lt3A_1039, %get3A_1034, %broadcast_in_dim3A_1041 : vector<16xi1>, vector<16xf32>
    %swap3A_1043 = arith.constant 928 : index
    %swap3A_1044 = tpu.vector_load %arg7[%swap3A_1043] {strides = array<i32>} : memref<1024xf32, #tpu.memory_space<vmem>>, vector<16xf32>,
    %swap3A_1045 = vector.shape_cast %swap3A_1044 : vector<16xf32> to vector<16xf32>
    %swap3A_1046 = vector.shape_cast %select_n3A_1042 : vector<16xf32> to vector<16xf32>
    tpu.vector_store %arg7[%swap3A_1043], %swap3A_1046 {strides = array<i32>} : memref<1024xf32, #tpu.memory_space<vmem>>, vector<16xf32>,
    %add3A_1047 = arith.constant 944 : i32
    %add3A_1048 = arith.addi %add3A_45, %add3A_1047 : i32
    %get3A_1049 = arith.index_cast %add3A_1048 : i32 to index
    %get3A_1050 = tpu.vector_load %arg6[%get3A_1049] {strides = array<i32>} : memref<20496xf32, #tpu.memory_space<vmem>>, vector<16xf32>,
    %get3A_1051 = vector.shape_cast %get3A_1050 : vector<16xf32> to vector<16xf32>
    %add3A_1052 = arith.constant 944 : i32
    %add3A_1053 = vector.broadcast %add3A_1052 : i32 to vector<16xi32>
    %add3A_1054 = arith.addi %iota3A, %add3A_1053 : vector<16xi32>
    %lt3A_1055 = vector.broadcast %sub3A_44 : i32 to vector<16xi32>
    %lt3A_1056 = arith.cmpi slt, %add3A_1054, %lt3A_1055 : vector<16xi32>
    %jit3A_1057 = arith.constant 0.000000e+00 : f32
    %broadcast_in_dim3A_1058 = vector.broadcast %jit3A_1057 : f32 to vector<16xf32>
    %select_n3A_1059 = arith.select %lt3A_1056, %get3A_1051, %broadcast_in_dim3A_1058 : vector<16xi1>, vector<16xf32>
    %swap3A_1060 = arith.constant 944 : index
    %swap3A_1061 = tpu.vector_load %arg7[%swap3A_1060] {strides = array<i32>} : memref<1024xf32, #tpu.memory_space<vmem>>, vector<16xf32>,
    %swap3A_1062 = vector.shape_cast %swap3A_1061 : vector<16xf32> to vector<16xf32>
    %swap3A_1063 = vector.shape_cast %select_n3A_1059 : vector<16xf32> to vector<16xf32>
    tpu.vector_store %arg7[%swap3A_1060], %swap3A_1063 {strides = array<i32>} : memref<1024xf32, #tpu.memory_space<vmem>>, vector<16xf32>,
    %add3A_1064 = arith.constant 960 : i32
    %add3A_1065 = arith.addi %add3A_45, %add3A_1064 : i32
    %get3A_1066 = arith.index_cast %add3A_1065 : i32 to index
    %get3A_1067 = tpu.vector_load %arg6[%get3A_1066] {strides = array<i32>} : memref<20496xf32, #tpu.memory_space<vmem>>, vector<16xf32>,
    %get3A_1068 = vector.shape_cast %get3A_1067 : vector<16xf32> to vector<16xf32>
    %add3A_1069 = arith.constant 960 : i32
    %add3A_1070 = vector.broadcast %add3A_1069 : i32 to vector<16xi32>
    %add3A_1071 = arith.addi %iota3A, %add3A_1070 : vector<16xi32>
    %lt3A_1072 = vector.broadcast %sub3A_44 : i32 to vector<16xi32>
    %lt3A_1073 = arith.cmpi slt, %add3A_1071, %lt3A_1072 : vector<16xi32>
    %jit3A_1074 = arith.constant 0.000000e+00 : f32
    %broadcast_in_dim3A_1075 = vector.broadcast %jit3A_1074 : f32 to vector<16xf32>
    %select_n3A_1076 = arith.select %lt3A_1073, %get3A_1068, %broadcast_in_dim3A_1075 : vector<16xi1>, vector<16xf32>
    %swap3A_1077 = arith.constant 960 : index
    %swap3A_1078 = tpu.vector_load %arg7[%swap3A_1077] {strides = array<i32>} : memref<1024xf32, #tpu.memory_space<vmem>>, vector<16xf32>,
    %swap3A_1079 = vector.shape_cast %swap3A_1078 : vector<16xf32> to vector<16xf32>
    %swap3A_1080 = vector.shape_cast %select_n3A_1076 : vector<16xf32> to vector<16xf32>
    tpu.vector_store %arg7[%swap3A_1077], %swap3A_1080 {strides = array<i32>} : memref<1024xf32, #tpu.memory_space<vmem>>, vector<16xf32>,
    %add3A_1081 = arith.constant 976 : i32
    %add3A_1082 = arith.addi %add3A_45, %add3A_1081 : i32
    %get3A_1083 = arith.index_cast %add3A_1082 : i32 to index
    %get3A_1084 = tpu.vector_load %arg6[%get3A_1083] {strides = array<i32>} : memref<20496xf32, #tpu.memory_space<vmem>>, vector<16xf32>,
    %get3A_1085 = vector.shape_cast %get3A_1084 : vector<16xf32> to vector<16xf32>
    %add3A_1086 = arith.constant 976 : i32
    %add3A_1087 = vector.broadcast %add3A_1086 : i32 to vector<16xi32>
    %add3A_1088 = arith.addi %iota3A, %add3A_1087 : vector<16xi32>
    %lt3A_1089 = vector.broadcast %sub3A_44 : i32 to vector<16xi32>
    %lt3A_1090 = arith.cmpi slt, %add3A_1088, %lt3A_1089 : vector<16xi32>
    %jit3A_1091 = arith.constant 0.000000e+00 : f32
    %broadcast_in_dim3A_1092 = vector.broadcast %jit3A_1091 : f32 to vector<16xf32>
    %select_n3A_1093 = arith.select %lt3A_1090, %get3A_1085, %broadcast_in_dim3A_1092 : vector<16xi1>, vector<16xf32>
    %swap3A_1094 = arith.constant 976 : index
    %swap3A_1095 = tpu.vector_load %arg7[%swap3A_1094] {strides = array<i32>} : memref<1024xf32, #tpu.memory_space<vmem>>, vector<16xf32>,
    %swap3A_1096 = vector.shape_cast %swap3A_1095 : vector<16xf32> to vector<16xf32>
    %swap3A_1097 = vector.shape_cast %select_n3A_1093 : vector<16xf32> to vector<16xf32>
    tpu.vector_store %arg7[%swap3A_1094], %swap3A_1097 {strides = array<i32>} : memref<1024xf32, #tpu.memory_space<vmem>>, vector<16xf32>,
    %add3A_1098 = arith.constant 992 : i32
    %add3A_1099 = arith.addi %add3A_45, %add3A_1098 : i32
    %get3A_1100 = arith.index_cast %add3A_1099 : i32 to index
    %get3A_1101 = tpu.vector_load %arg6[%get3A_1100] {strides = array<i32>} : memref<20496xf32, #tpu.memory_space<vmem>>, vector<16xf32>,
    %get3A_1102 = vector.shape_cast %get3A_1101 : vector<16xf32> to vector<16xf32>
    %add3A_1103 = arith.constant 992 : i32
    %add3A_1104 = vector.broadcast %add3A_1103 : i32 to vector<16xi32>
    %add3A_1105 = arith.addi %iota3A, %add3A_1104 : vector<16xi32>
    %lt3A_1106 = vector.broadcast %sub3A_44 : i32 to vector<16xi32>
    %lt3A_1107 = arith.cmpi slt, %add3A_1105, %lt3A_1106 : vector<16xi32>
    %jit3A_1108 = arith.constant 0.000000e+00 : f32
    %broadcast_in_dim3A_1109 = vector.broadcast %jit3A_1108 : f32 to vector<16xf32>
    %select_n3A_1110 = arith.select %lt3A_1107, %get3A_1102, %broadcast_in_dim3A_1109 : vector<16xi1>, vector<16xf32>
    %swap3A_1111 = arith.constant 992 : index
    %swap3A_1112 = tpu.vector_load %arg7[%swap3A_1111] {strides = array<i32>} : memref<1024xf32, #tpu.memory_space<vmem>>, vector<16xf32>,
    %swap3A_1113 = vector.shape_cast %swap3A_1112 : vector<16xf32> to vector<16xf32>
    %swap3A_1114 = vector.shape_cast %select_n3A_1110 : vector<16xf32> to vector<16xf32>
    tpu.vector_store %arg7[%swap3A_1111], %swap3A_1114 {strides = array<i32>} : memref<1024xf32, #tpu.memory_space<vmem>>, vector<16xf32>,
    %add3A_1115 = arith.constant 1008 : i32
    %add3A_1116 = arith.addi %add3A_45, %add3A_1115 : i32
    %get3A_1117 = arith.index_cast %add3A_1116 : i32 to index
    %get3A_1118 = tpu.vector_load %arg6[%get3A_1117] {strides = array<i32>} : memref<20496xf32, #tpu.memory_space<vmem>>, vector<16xf32>,
    %get3A_1119 = vector.shape_cast %get3A_1118 : vector<16xf32> to vector<16xf32>
    %add3A_1120 = arith.constant 1008 : i32
    %add3A_1121 = vector.broadcast %add3A_1120 : i32 to vector<16xi32>
    %add3A_1122 = arith.addi %iota3A, %add3A_1121 : vector<16xi32>
    %lt3A_1123 = vector.broadcast %sub3A_44 : i32 to vector<16xi32>
    %lt3A_1124 = arith.cmpi slt, %add3A_1122, %lt3A_1123 : vector<16xi32>
    %jit3A_1125 = arith.constant 0.000000e+00 : f32
    %broadcast_in_dim3A_1126 = vector.broadcast %jit3A_1125 : f32 to vector<16xf32>
    %select_n3A_1127 = arith.select %lt3A_1124, %get3A_1119, %broadcast_in_dim3A_1126 : vector<16xi1>, vector<16xf32>
    %swap3A_1128 = arith.constant 1008 : index
    %swap3A_1129 = tpu.vector_load %arg7[%swap3A_1128] {strides = array<i32>} : memref<1024xf32, #tpu.memory_space<vmem>>, vector<16xf32>,
    %swap3A_1130 = vector.shape_cast %swap3A_1129 : vector<16xf32> to vector<16xf32>
    %swap3A_1131 = vector.shape_cast %select_n3A_1127 : vector<16xf32> to vector<16xf32>
    tpu.vector_store %arg7[%swap3A_1128], %swap3A_1131 {strides = array<i32>} : memref<1024xf32, #tpu.memory_space<vmem>>, vector<16xf32>,
    %mul3A_1132 = arith.constant 1024 : i32
    %mul3A_1133 = arith.muli %add3A, %mul3A_1132 : i32
    "tpu.region"() ({
      %run_scoped3A = tpu.sem_alloc : memref<!tpu.dma_semaphore, #tpu.memory_space<semaphore_mem>>
      %dma_start3A_1134 = tpu.memref_slice %arg4[%mul3A_1133] : memref<32768xf32, #tpu.memory_space<hbm>> -> memref<1024xf32, #tpu.memory_space<hbm>>
      %dma_start3A_1135 = tpu.memref_slice %arg4[%mul3A_1133] : memref<32768xf32, #tpu.memory_space<hbm>> -> memref<1024xf32, #tpu.memory_space<hbm>>
      tpu.enqueue_dma source(%arg7 : memref<1024xf32, #tpu.memory_space<vmem>>) target(%dma_start3A_1135 : memref<1024xf32, #tpu.memory_space<hbm>>) target_semaphore(%run_scoped3A : memref<!tpu.dma_semaphore, #tpu.memory_space<semaphore_mem>>)
      %dma_wait3A_1136 = tpu.memref_slice %arg4[%mul3A_1133] : memref<32768xf32, #tpu.memory_space<hbm>> -> memref<1024xf32, #tpu.memory_space<hbm>>
      %dma_wait3A_1137 = tpu.memref_slice %arg4[%mul3A_1133] : memref<32768xf32, #tpu.memory_space<hbm>> -> memref<1024xf32, #tpu.memory_space<hbm>>
      tpu.wait_dma2 semaphore(%run_scoped3A : memref<!tpu.dma_semaphore, #tpu.memory_space<semaphore_mem>>) src(%arg7 : memref<1024xf32, #tpu.memory_space<vmem>>) dst(%dma_wait3A_1137 : memref<1024xf32, #tpu.memory_space<hbm>>)
      tpu.yield
    }) : () -> ()
    return
  }
}

</mosaic_0001>

<sc_bundles>
// kernel: kernel.3.cloned.1.call-start
scs
__scs_entry_jumppad:
0x0: {  	(pc) =	sbr.rel $0x88, $3  }
0x1: {  	(tag) =	ssettag $0x0;
	lr =	simm.s32 $0x1  }
0x2: {  	[smem:$0x3F9F] =	sst lr;
	_ =	strace $0xD0000000  }
0x3: {  	_ = 	snop  }
0x4: {  	_ = 	snop  }
0x5: {  	_ = 	snop  }
0x6: {  	_ = 	snop  }
0x7: {  	_ = 	snop  }
__scs_overlays_trampoline_lowered:
0x8: {  	[smem:$0x3FAE] =	sst s0  }
0x9: {  	[smem:$0x3FAF] =	sst s1  }
0xa: {  	[smem:$0x3FB0] =	sst s2  }
0xb: {  	[smem:$0x3FB1] =	sst s3  }
0xc: {  	[smem:$0x3FB2] =	sst s4  }
0xd: {  	[smem:$0x3FB3] =	sst s5  }
0xe: {  	[smem:$0x3FB4] =	sst s6  }
0xf: {  	[smem:$0x3FB5] =	sst s7  }
0x10: {  	[smem:$0x3FB6] =	sst s8  }
0x11: {  	[smem:$0x3FB7] =	sst s9;
	s0 =	simm.s32 @!p0 $0x0  }
0x12: {  	s1 =	sld [smem:$0x3F9D];
	s0 =	simm.s32 @p0 $0x1  }
0x13: {  	[smem:$0x3FB8] =	sst s0;
	s0 =	simm.s32 @!p1 $0x0  }
0x14: {  	s2 =	sld [smem:$0x3F9C];
	s0 =	simm.s32 @p1 $0x1  }
0x15: {  	[smem:$0x3FB9] =	sst s0;
	s0 =	simm.s32 @!p2 $0x0  }
0x16: {  	s3 =	sld [smem:$0x3FDB];
	s0 =	simm.s32 @p2 $0x1  }
0x17: {  	s4 =	simm.s32 $0x1BF5;
	[smem:$0x3FBB] =	sst s0  }
0x18: {  	s0 =	sld [smem:$0x3F9E];
	_ =	swait.ge [sflag:s4], $0x0  }
0x19: {  	s7 =	sld [smem:$0x3F9F]  }
0x1a: {  	s8 =	sadd.s32 $0xFFFFE003, lr  }
0x1b: {  	s9 =	sadd.s32 $0xFFFFFEF7, lr;
	s5 =	simm.s32 $0xFFFFFFFF;
	p2 =	slt.u32 s8, $0xFFFFF086  }
0x1c: {  	p1 =	slt.u32 s9, $0xF7A;
	s5 =	simm.s32 @!p2 $0x0  }
0x1d: {  	s5 =	simm.s32 @p1 $0x1;
	p0 =	seq.s32 s7, s2  }
0x1e: {  	s7 =	smul.u32 @!p0 $0xF7A, s2;
	p2 =	seq.s32 @!p0 s5, $0x0  }
0x1f: {  	s9 =	smul.u32 $0xF7A, s1;
	s8 =	simm.s32 @!p0 $0x1BF5;
	p2 =	por !p2, p0  }
0x20: {  	[sflag:s8] =	ssyncset.s32 @!p0 $0xFFFFF086;
	s6 =	sadd.s32 @!p0 s3, s7;
	s7 =	simm.s32 @!p0 $0x108  }
0x21: {  	s3 =	sadd.s32 s3, s9;
	s6 =	sadd.s32 @!p0 $0x88, s6;
	s7 =	simm.s32 @p2 $0x1082  }
0x22: {  	[simem:s7], [sflag:s8] =	dma.local @!p0 [hbm:s6], $0xF7A  }
0x23: {  	s9 =	sor.u32 $0xD0000000, s2;
	s6 =	simm.s32 $0x108;
	_ =	swait.ge @!p0 [sflag:s8], $0x0  }
0x24: {  	s3 =	sadd.s32 $0x88, s3;
	s6 =	simm.s32 @!p1 $0x1082;
	[sflag:s4] =	ssyncset.s32 $0xFFFFF086  }
0x25: {  	[simem:s6], [sflag:s4] =	dma.local [hbm:s3], $0xF7A  }
0x26: {  	[smem:$0x3F9F] =	sst s1;
	(tag) =	ssettag s2;
	_ =	strace s9  }
0x27: {  	s1 =	sld [smem:$0x3FAF]  }
0x28: {  	s2 =	sld [smem:$0x3FB0]  }
0x29: {  	s4 =	sld [smem:$0x3FB2]  }
0x2a: {  	p0 =	seq.s32 s5, $0x0;
	s5 =	sld [smem:$0x3FB3]  }
0x2b: {  	s6 =	sld [smem:$0x3FB4]  }
0x2c: {  	s7 =	sld [smem:$0x3FB5]  }
0x2d: {  	s3 =	simm.s32 $0x108;
	s8 =	sld [smem:$0x3FB6]  }
0x2e: {  	s3 =	simm.s32 @!p0 $0x1082;
	s9 =	sld [smem:$0x3FB7]  }
0x2f: {  	lr =	sadd.s32 s0, s3;
	s0 =	sld [smem:$0x3FAE]  }
0x30: {  	s3 =	sld [smem:$0x3FB1]  }
0x31: {  	[smem:$0x3FBA] =	sst s10  }
0x32: {  	s10 =	sld [smem:$0x3FB8];
	_ =	sdelay $0x3  }
0x33: {  	p0 =	seq.s32 s10, $0x1;
	s10 =	sld [smem:$0x3FBA];
	_ =	sdelay $0x3  }
0x34: {  	[smem:$0x3FBA] =	sst s10  }
0x35: {  	s10 =	sld [smem:$0x3FB9];
	_ =	sdelay $0x3  }
0x36: {  	p1 =	seq.s32 s10, $0x1;
	s10 =	sld [smem:$0x3FBA];
	_ =	sdelay $0x3  }
0x37: {  	[smem:$0x3FBA] =	sst s10  }
0x38: {  	s10 =	sld [smem:$0x3FBB]  }
0x39: {  	_ = 	snop;
	(pc) =	sbr.ind lr, $3  }
0x3a: {  	_ = 	snop  }
0x3b: {  	_ = 	snop  }
0x3c: {  	p2 =	seq.s32 s10, $0x1;
	s10 =	sld [smem:$0x3FBA]  }
0x3d: {  	_ =	shalt  }
0x3e: {  	_ =	shalt  }
0x3f: {  	_ =	shalt  }
0x40: {  	_ =	shalt  }
0x41: {  	_ =	shalt  }
0x42: {  	_ =	shalt  }
0x43: {  	_ =	shalt  }
0x44: {  	_ =	shalt  }
0x45: {  	_ =	shalt  }
0x46: {  	_ =	shalt  }
0x47: {  	_ =	shalt  }
0x48: {  	_ =	shalt  }
0x49: {  	_ =	shalt  }
0x4a: {  	_ =	shalt  }
0x4b: {  	_ =	shalt  }
0x4c: {  	_ =	shalt  }
0x4d: {  	_ =	shalt  }
0x4e: {  	_ =	shalt  }
0x4f: {  	_ =	shalt  }
0x50: {  	_ =	shalt  }
0x51: {  	_ =	shalt  }
0x52: {  	_ =	shalt  }
0x53: {  	_ =	shalt  }
0x54: {  	_ =	shalt  }
0x55: {  	_ =	shalt  }
0x56: {  	_ =	shalt  }
0x57: {  	_ =	shalt  }
0x58: {  	_ =	shalt  }
0x59: {  	_ =	shalt  }
0x5a: {  	_ =	shalt  }
0x5b: {  	_ =	shalt  }
0x5c: {  	_ =	shalt  }
0x5d: {  	_ =	shalt  }
0x5e: {  	_ =	shalt  }
0x5f: {  	_ =	shalt  }
0x60: {  	_ =	shalt  }
0x61: {  	_ =	shalt  }
0x62: {  	_ =	shalt  }
0x63: {  	_ =	shalt  }
0x64: {  	_ =	shalt  }
0x65: {  	_ =	shalt  }
0x66: {  	_ =	shalt  }
0x67: {  	_ =	shalt  }
0x68: {  	_ =	shalt  }
0x69: {  	_ =	shalt  }
0x6a: {  	_ =	shalt  }
0x6b: {  	_ =	shalt  }
0x6c: {  	_ =	shalt  }
0x6d: {  	_ =	shalt  }
0x6e: {  	_ =	shalt  }
0x6f: {  	_ =	shalt  }
0x70: {  	_ =	shalt  }
0x71: {  	_ =	shalt  }
0x72: {  	_ =	shalt  }
0x73: {  	_ =	shalt  }
0x74: {  	_ =	shalt  }
0x75: {  	_ =	shalt  }
0x76: {  	_ =	shalt  }
0x77: {  	_ =	shalt  }
0x78: {  	_ =	shalt  }
0x79: {  	_ =	shalt  }
0x7a: {  	_ =	shalt  }
0x7b: {  	_ =	shalt  }
0x7c: {  	_ =	shalt  }
0x7d: {  	_ =	shalt  }
0x7e: {  	_ =	shalt  }
0x7f: {  	_ =	shalt  }
0x80: {  	_ =	shalt  }
0x81: {  	_ =	shalt  }
0x82: {  	_ =	shalt  }
0x83: {  	_ =	shalt  }
0x84: {  	_ =	shalt  }
0x85: {  	_ =	shalt  }
0x86: {  	_ =	shalt  }
0x87: {  	_ =	shalt  }
.Lfunc_end0:
.L_simem_size_0:
called_computation_lowered:
.L_overlay_start_0:
0x88: {  	s2 =	sld [smem:$0x3FD9]  }
0x89: {  	s3 =	sld [smem:$0x3FFE];
	_ =	sdelay $0x1  }
0x8a: {  	s1 =	srdreg.scid  }
0x8b: {  	s0 =	sand.u32 $0x1, s1  }
0x8c: {  	s17 =	sshll.u32 s0, $0xA;
	s2 =	sadd.s32 s3, s2  }
0x8d: {  	s2 =	sadd.s32 s2, s17  }
0x8e: {  	[smem:$0x3FC6] =	sst s2  }
0x8f: {  	_ = 	snop  }
0x90: {  	s2 =	sld [smem:$0x3FC9]  }
0x91: {  	s18 =	sld [smem:$0x3FD0];
	(tm) =	ssettm $0x1  }
0x92: {  	s4 =	sld [smem:$0x3FFB];
	_ =	sdelay $0x3  }
0x93: {  	_ =	strace s4  }
0x94: {  	s4 =	sld [smem:$0x3FFC];
	_ =	sdelay $0x3  }
0x95: {  	_ =	strace s4  }
0x96: {  	s4 =	sld [smem:$0x3FFD];
	_ =	sdelay $0x3  }
0x97: {  	_ =	strace s4  }
0x98: {  	_ =	strace $0x8FFFFFFF  }
0x99: {  	s19 =	sld [smem:$0x3FDB];
	_ =	sdelay $0x1  }
0x9a: {  	s5 =	simm.s32 $_scs_section_size  }
0x9b: {  	s6 =	simm.s32 $_size__tile_overlayer_lowered;
	s7 =	simm.s32 $_tile_overlayer_lowered  }
0x9c: {  	s22 =	simm.s32 $0x1BFF;
	s21 =	sshll.u32 s7, $0x1;
	s4 =	sadd.s32 s5, s19  }
0x9d: {  	s8 =	simm.s32 $0x0;
	s20 =	sshll.u32 s6, $0x1;
	s6 =	sadd.s32 s21, s4  }
0x9e: {  	[timem:s8], [sflag:s22] =	dma.local [hbm:s6], s20  }
0x9f: {  	_ =	swait.ge [sflag:s22], s20  }
0xa0: {  	s5 =	ssub.s32 $0x0, s20;
	[sflag:s22] =	ssyncset.done $0x0  }
0xa1: {  	[sflag:s22] =	ssyncadd.s32 s5;
	_ =	sdelay $0x1  }
0xa2: {  	s23 =	simm.s32 $0x1B8B  }
0xa3: {  	_ =	swait.ge [sflag:s23], $0x1  }
0xa4: {  	[sflag:s23] =	ssyncset.done $0x0  }
0xa5: {  	s25 =	simm.s32 $0x1B8E;
	s24 =	sld [smem:$0x3FFE];
	[sflag:s23] =	ssyncadd.s32 $0xFFFFFFFF  }
0xa6: {  	s26 =	simm.s32 $execute0_lowered;
	[smem:$0x3FD2] =	sst s25  }
0xa7: {  	s6 =	sshll.u32 s26, $0x1;
	_ =	strace $0x80000046;
	[dreg:$0x1] =	wrdreg $0xFFFFFFFF  }
0xa8: {  	s28 =	simm.s32 $_size_execute0_lowered;
	s4 =	sadd.s32 s4, s6;
	[dreg:$0x0] =	wrdreg $0x0  }
0xa9: {  	s6 =	sshll.u32 s28, $0x1;
	[dreg:$0x2] =	wrdreg s4  }
0xaa: {  	[dreg:$0x3] =	wrdreg s6  }
0xab: {  	[dreg:$0x4] =	wrdreg $0xC0  }
0xac: {  	_ =	task [dreg:s8], $0x5FFFF  }
0xad: {  	[dreg:$0x1] =	wrdreg $0xFFFFFFFF  }
0xae: {  	[dreg:$0x0] =	wrdreg $0x60  }
0xaf: {  	[dreg:$0x2] =	wrdreg s2  }
0xb0: {  	[dreg:$0x3] =	wrdreg s24  }
0xb1: {  	[dreg:$0x4] =	wrdreg s18  }
0xb2: {  	[dreg:$0x5] =	wrdreg $0x9  }
0xb3: {  	_ =	task.clear_ibuf [dreg:s8], $0x6FFFF;
	_ =	strace $0x90000046  }
0xb4: {  	s29 =	simm.s32 $0x9;
	_ =	strace $0x80000048  }
0xb5: {  	_ =	swait.ge [sflag:s29], $0x1  }
0xb6: {  	[sflag:s29] =	ssyncadd.s32 $0xFFFFFFFF  }
0xb7: {  	_ =	strace $0x90000048  }
0xb8: {  	_ =	sfence  }
0xb9: {  	s30 =	sld [smem:$0x0];
	_ =	sdelay $0x2  }
0xba: {  	s31 =	sshll.u32 s1, $0xD;
	s1 =	sshrl.u32 s1, $0x2  }
0xbb: {  	s3 =	sand.u32 $0x4000, s31;
	s1 =	sadd.s32 s1, s30  }
0xbc: {  	s0 =	sor.u32 s3, s0;
	s1 =	sshll.u32 s1, $0x11  }
0xbd: {  	s0 =	sor.u32 s1, s0  }
0xbe: {  	s0 =	sadd.s32 $0x8F2B, s0  }
0xbf: {  	[sflag:s0] =	ssyncadd.remote.s32 $0x1  }
0xc0: {  	_ =	sfence.sel $0xFFFF  }
0xc1: {  	[dreg:$0x0] =	wrdreg $0xFFFFFFFF;
	(pc) =	sbr.abs _section_cstart, $3  }
0xc2: {  	[dreg:$0x1] =	wrdreg $0xFFFFFFFF  }
0xc3: {  	_ =	task.clear_ibuf [dreg:s8], $0x2FFFF;
	_ =	strace $0x9FFFFFFF  }
0xc4: {  	(tm) =	ssettm $0x7FFFFFFF  }
0xc5: {  	_ =	shalt  }
tec
execute0_lowered:
.L_overlay_start_1:
0x0: {  	(tag) =	ssettag $0x1  }
0x1: {  	v0 =	vlaneseq.u32  }
0x2: {  	v1 =	vor.u32 $0x10, v0  }
0x3: {  	v5 =	vor.u32 $0x50, v0;
	v6 =	vor.u32 $0x60, v0;
	v7 =	vor.u32 $0x70, v0  }
0x4: {  	v8 =	vor.u32 $0x80, v0;
	v9 =	vor.u32 $0x90, v0;
	v10 =	vor.u32 $0xA0, v0  }
0x5: {  	v11 =	vor.u32 $0xB0, v0;
	v12 =	vor.u32 $0xC0, v0;
	v13 =	vor.u32 $0xD0, v0  }
0x6: {  	v14 =	vor.u32 $0xE0, v0;
	v15 =	vor.u32 $0xF0, v0;
	v16 =	vor.u32 $0x100, v0  }
0x7: {  	v17 =	vor.u32 $0x110, v0;
	v18 =	vor.u32 $0x120, v0;
	v19 =	vor.u32 $0x130, v0  }
0x8: {  	v20 =	vor.u32 $0x140, v0;
	v21 =	vor.u32 $0x150, v0;
	v22 =	vor.u32 $0x160, v0  }
0x9: {  	v23 =	vor.u32 $0x170, v0;
	v24 =	vor.u32 $0x180, v0;
	v25 =	vor.u32 $0x190, v0  }
0xa: {  	v26 =	vor.u32 $0x1A0, v0;
	v27 =	vor.u32 $0x1B0, v0;
	v28 =	vor.u32 $0x1C0, v0  }
0xb: {  	v29 =	vor.u32 $0x1D0, v0;
	v30 =	vor.u32 $0x1E0, v0;
	v31 =	vor.u32 $0x1F0, v0  }
0xc: {  	v32 =	vor.u32 $0x200, v0;
	v33 =	vor.u32 $0x210, v0;
	v34 =	vor.u32 $0x220, v0  }
0xd: {  	s0 =	rddreg [dreg:$0x0];
	v35 =	vor.u32 $0x230, v0;
	v36 =	vor.u32 $0x240, v0;
	v37 =	vor.u32 $0x250, v0  }
0xe: {  	s4 =	rddreg [dreg:$0x1];
	v38 =	vor.u32 $0x260, v0;
	v39 =	vor.u32 $0x270, v0;
	v40 =	vor.u32 $0x280, v0  }
0xf: {  	s7 =	rddreg [dreg:$0x2];
	v41 =	vor.u32 $0x290, v0;
	v42 =	vor.u32 $0x2A0, v0;
	v43 =	vor.u32 $0x2B0, v0  }
0x10: {  	s1 =	rddreg [dreg:$0x3];
	s2 =	simm.s32 $0x0;
	s5 =	srdreg.scid;
	v44 =	vor.u32 $0x2C0, v0;
	v45 =	vor.u32 $0x2D0, v0;
	v46 =	vor.u32 $0x2E0, v0  }
0x11: {  	s3 =	stileid.u32;
	s10 =	simm.s32 $0x1;
	s11 =	simm.s32 $0x2;
	v47 =	vor.u32 $0x2F0, v0;
	v48 =	vor.u32 $0x300, v0;
	v49 =	vor.u32 $0x310, v0  }
0x12: {  	s12 =	simm.s32 $0x5100;
	s13 =	simm.s32 $0x3;
	s5 =	sand.u32 $0x1, s5;
	v50 =	vor.u32 $0x320, v0;
	v51 =	vor.u32 $0x330, v0;
	v52 =	vor.u32 $0x340, v0  }
0x13: {  	[smem:$0x7FF] =	sst s2;
	s8 =	sshll.u32 s3, $0x1;
	v53 =	vor.u32 $0x350, v0;
	v54 =	vor.u32 $0x360, v0;
	[tilespmem:$0x1FFC0] =	vst v1;
	v1 =	vor.u32 $0x20, v0;
	s6 =	ssub.s32 $0x2, s5  }
0x14: {  	s4 =	sadd.s32 $0x600, s4;
	v55 =	vor.u32 $0x370, v0;
	v56 =	vor.u32 $0x380, v0;
	s5 =	sor.u32 s5, s8;
	[tilespmem:$0x1FFD0] =	vst v1;
	v1 =	vor.u32 $0x30, v0;
	s9 =	sshrl.u32 s6, $0x1  }
0x15: {  	v57 =	vor.u32 $0x390, v0;
	v58 =	vor.u32 $0x3A0, v0;
	s30 =	sshll.u32 s5, $0xA;
	s31 =	sshll.u32 s5, $0x7;
	s5 =	sshrl.u32 s3, $0x1;
	[tilespmem:$0x1FFE0] =	vst v1;
	v1 =	vor.u32 $0x40, v0  }
0x16: {  	v59 =	vor.u32 $0x3B0, v0;
	v60 =	vor.u32 $0x3C0, v0;
	v61 =	vor.u32 $0x3D0, v0;
	s29 =	ssub.s32 s6, s9;
	s6 =	sand.u32 $0xC00, s30;
	s7 =	sadd.s32 s7, s31;
	[tilespmem:$0x1FFF0] =	vst v1  }
0x17: {  	v62 =	vor.u32 $0x3E0, v0;
	v63 =	vor.u32 $0x3F0, v0;
	s9 =	simm.s32 $0x80;
	s8 =	smax.u32 s29, $0x1;
	v1 =	vmov s6;
	_ =	strace $0x80000047  }
.LBB2_1:
0x18: {  	[tilespmem:s2], [sflag:$0x1] =	stream.linear.gather [hbm4b:s4+s2], $0x80, $0x38;
	[tilespmem:$0x5500] =	vst v63  }
0x19: {  	_ = 	snop  }
0x1a: {  	[tilespmem:s9], [sflag:$0x2] =	stream.linear.gather [hbm4b:s0+s2], $0x4000, $0x38;
	[tilespmem:$0x5500] =	vst v63  }
0x1b: {  	_ =	swait.ge [sflag:s10], $0x80  }
0x1c: {  	[sflag:s10] =	ssyncset.done $0x0  }
0x1d: {  	[sflag:s10] =	ssyncadd.s32 $0xFFFFFF80  }
0x1e: {  	_ =	swait.ge [sflag:s11], $0x4000  }
0x1f: {  	[sflag:s11] =	ssyncset.done $0x0  }
0x20: {  	[sflag:s11] =	ssyncadd.s32 $0xFFFFC000  }
0x21: {  	v2 =	vld [tilespmem:s5+$0x0];
	_ =	sdelay $0x4  }
0x22: {  	(v2sf) =	vpush v2, $0x0;
	_ =	sdelay $0x1  }
0x23: {  	(v2sf) =	vpush v2, $0x1;
	_ =	sdelay $0xc  }
0x24: {  	s14 =	spop (v2sf)  }
0x25: {  	v3 =	vld.idx.msk [tilespmem:v1+s14+$0x80 ss:$0x1], $0xffff  }
0x26: {  	s15 =	spop (v2sf);
	s16 =	sadd.s32 s6, s14  }
0x27: {  	s15 =	ssub.s32 s15, s16  }
0x28: {  	v2 =	vmov s15  }
0x29: {  	vm0 =	vgt.s32 v2, v0  }
0x2a: {  	v3 =	vnsel vm0, $0x0, v3  }
0x2b: {  	v4 =	vld [tilespmem:$0x1FFC0];
	[tilespmem:$0x5100] =	vst v3  }
0x2c: {  	v3 =	vld.idx.msk [tilespmem:v1+s14+$0x90 ss:$0x1], $0xffff;
	_ =	sdelay $0x3  }
0x2d: {  	vm13 =	vgt.s32 v2, v4  }
0x2e: {  	v3 =	vnsel vm13, $0x0, v3  }
0x2f: {  	v4 =	vld [tilespmem:$0x1FFD0];
	[tilespmem:$0x5110] =	vst v3  }
0x30: {  	v3 =	vld.idx.msk [tilespmem:v1+s14+$0xA0 ss:$0x1], $0xffff;
	_ =	sdelay $0x3  }
0x31: {  	vm14 =	vgt.s32 v2, v4  }
0x32: {  	v3 =	vnsel vm14, $0x0, v3  }
0x33: {  	v4 =	vld [tilespmem:$0x1FFE0];
	[tilespmem:$0x5120] =	vst v3  }
0x34: {  	v3 =	vld.idx.msk [tilespmem:v1+s14+$0xB0 ss:$0x1], $0xffff;
	_ =	sdelay $0x3  }
0x35: {  	vm15 =	vgt.s32 v2, v4  }
0x36: {  	v3 =	vnsel vm15, $0x0, v3  }
0x37: {  	v4 =	vld [tilespmem:$0x1FFF0];
	[tilespmem:$0x5130] =	vst v3  }
0x38: {  	v3 =	vld.idx.msk [tilespmem:v1+s14+$0xC0 ss:$0x1], $0xffff;
	_ =	sdelay $0x3  }
0x39: {  	vm4 =	vgt.s32 v2, v4  }
0x3a: {  	v3 =	vnsel vm4, $0x0, v3  }
0x3b: {  	[tilespmem:$0x5140] =	vst v3  }
0x3c: {  	v3 =	vld.idx.msk [tilespmem:v1+s14+$0xD0 ss:$0x1], $0xffff;
	_ =	sdelay $0x3  }
0x3d: {  	vm5 =	vgt.s32 v2, v5  }
0x3e: {  	v3 =	vnsel vm5, $0x0, v3  }
0x3f: {  	[tilespmem:$0x5150] =	vst v3  }
0x40: {  	v3 =	vld.idx.msk [tilespmem:v1+s14+$0xE0 ss:$0x1], $0xffff;
	_ =	sdelay $0x3  }
0x41: {  	vm6 =	vgt.s32 v2, v6  }
0x42: {  	v3 =	vnsel vm6, $0x0, v3  }
0x43: {  	[tilespmem:$0x5160] =	vst v3  }
0x44: {  	v3 =	vld.idx.msk [tilespmem:v1+s14+$0xF0 ss:$0x1], $0xffff;
	_ =	sdelay $0x3  }
0x45: {  	vm7 =	vgt.s32 v2, v7  }
0x46: {  	s31 =	sand.u32 $0x7F, s14;
	s30 =	sand.u32 $0xFFFFFF80, s16;
	v3 =	vnsel vm7, $0x0, v3  }
0x47: {  	s15 =	sor.u32 s31, s30;
	[tilespmem:$0x5170] =	vst v3  }
0x48: {  	v3 =	vld [tilespmem:s15+$0x100];
	_ =	sdelay $0x3  }
0x49: {  	vm8 =	vgt.s32 v2, v8  }
0x4a: {  	v3 =	vnsel vm8, $0x0, v3  }
0x4b: {  	[tilespmem:$0x5180] =	vst v3  }
0x4c: {  	v3 =	vld.idx.msk [tilespmem:v1+s14+$0x110 ss:$0x1], $0xffff;
	_ =	sdelay $0x3  }
0x4d: {  	vm9 =	vgt.s32 v2, v9  }
0x4e: {  	v3 =	vnsel vm9, $0x0, v3  }
0x4f: {  	[tilespmem:$0x5190] =	vst v3  }
0x50: {  	v3 =	vld.idx.msk [tilespmem:v1+s14+$0x120 ss:$0x1], $0xffff;
	_ =	sdelay $0x3  }
0x51: {  	vm10 =	vgt.s32 v2, v10  }
0x52: {  	v3 =	vnsel vm10, $0x0, v3  }
0x53: {  	[tilespmem:$0x51A0] =	vst v3  }
0x54: {  	v3 =	vld.idx.msk [tilespmem:v1+s14+$0x130 ss:$0x1], $0xffff;
	_ =	sdelay $0x3  }
0x55: {  	vm11 =	vgt.s32 v2, v11  }
0x56: {  	v3 =	vnsel vm11, $0x0, v3  }
0x57: {  	[tilespmem:$0x51B0] =	vst v3  }
0x58: {  	v3 =	vld.idx.msk [tilespmem:v1+s14+$0x140 ss:$0x1], $0xffff;
	_ =	sdelay $0x3  }
0x59: {  	vm12 =	vgt.s32 v2, v12  }
0x5a: {  	v3 =	vnsel vm12, $0x0, v3  }
0x5b: {  	[tilespmem:$0x51C0] =	vst v3  }
0x5c: {  	v3 =	vld.idx.msk [tilespmem:v1+s14+$0x150 ss:$0x1], $0xffff;
	_ =	sdelay $0x3  }
0x5d: {  	vm13 =	vgt.s32 v2, v13  }
0x5e: {  	v3 =	vnsel vm13, $0x0, v3  }
0x5f: {  	[tilespmem:$0x51D0] =	vst v3  }
0x60: {  	v3 =	vld.idx.msk [tilespmem:v1+s14+$0x160 ss:$0x1], $0xffff;
	_ =	sdelay $0x3  }
0x61: {  	vm14 =	vgt.s32 v2, v14  }
0x62: {  	v3 =	vnsel vm14, $0x0, v3  }
0x63: {  	[tilespmem:$0x51E0] =	vst v3  }
0x64: {  	v3 =	vld.idx.msk [tilespmem:v1+s14+$0x170 ss:$0x1], $0xffff;
	_ =	sdelay $0x3  }
0x65: {  	vm15 =	vgt.s32 v2, v15  }
0x66: {  	v3 =	vnsel vm15, $0x0, v3  }
0x67: {  	[tilespmem:$0x51F0] =	vst v3  }
0x68: {  	v3 =	vld [tilespmem:s15+$0x180];
	_ =	sdelay $0x3  }
0x69: {  	vm4 =	vgt.s32 v2, v16  }
0x6a: {  	v3 =	vnsel vm4, $0x0, v3  }
0x6b: {  	[tilespmem:$0x5200] =	vst v3  }
0x6c: {  	v3 =	vld.idx.msk [tilespmem:v1+s14+$0x190 ss:$0x1], $0xffff;
	_ =	sdelay $0x3  }
0x6d: {  	vm5 =	vgt.s32 v2, v17  }
0x6e: {  	v3 =	vnsel vm5, $0x0, v3  }
0x6f: {  	[tilespmem:$0x5210] =	vst v3  }
0x70: {  	v3 =	vld.idx.msk [tilespmem:v1+s14+$0x1A0 ss:$0x1], $0xffff;
	_ =	sdelay $0x3  }
0x71: {  	vm6 =	vgt.s32 v2, v18  }
0x72: {  	v3 =	vnsel vm6, $0x0, v3  }
0x73: {  	[tilespmem:$0x5220] =	vst v3  }
0x74: {  	v3 =	vld.idx.msk [tilespmem:v1+s14+$0x1B0 ss:$0x1], $0xffff;
	_ =	sdelay $0x3  }
0x75: {  	vm7 =	vgt.s32 v2, v19  }
0x76: {  	v3 =	vnsel vm7, $0x0, v3  }
0x77: {  	[tilespmem:$0x5230] =	vst v3  }
0x78: {  	v3 =	vld.idx.msk [tilespmem:v1+s14+$0x1C0 ss:$0x1], $0xffff;
	_ =	sdelay $0x3  }
0x79: {  	vm8 =	vgt.s32 v2, v20  }
0x7a: {  	v3 =	vnsel vm8, $0x0, v3  }
0x7b: {  	[tilespmem:$0x5240] =	vst v3  }
0x7c: {  	v3 =	vld.idx.msk [tilespmem:v1+s14+$0x1D0 ss:$0x1], $0xffff;
	_ =	sdelay $0x3  }
0x7d: {  	vm9 =	vgt.s32 v2, v21  }
0x7e: {  	v3 =	vnsel vm9, $0x0, v3  }
0x7f: {  	[tilespmem:$0x5250] =	vst v3  }
0x80: {  	v3 =	vld.idx.msk [tilespmem:v1+s14+$0x1E0 ss:$0x1], $0xffff;
	_ =	sdelay $0x3  }
0x81: {  	vm10 =	vgt.s32 v2, v22  }
0x82: {  	v3 =	vnsel vm10, $0x0, v3  }
0x83: {  	[tilespmem:$0x5260] =	vst v3  }
0x84: {  	v3 =	vld.idx.msk [tilespmem:v1+s14+$0x1F0 ss:$0x1], $0xffff;
	_ =	sdelay $0x3  }
0x85: {  	vm11 =	vgt.s32 v2, v23  }
0x86: {  	v3 =	vnsel vm11, $0x0, v3  }
0x87: {  	[tilespmem:$0x5270] =	vst v3  }
0x88: {  	v3 =	vld [tilespmem:s15+$0x200];
	_ =	sdelay $0x3  }
0x89: {  	vm12 =	vgt.s32 v2, v24  }
0x8a: {  	v3 =	vnsel vm12, $0x0, v3  }
0x8b: {  	[tilespmem:$0x5280] =	vst v3  }
0x8c: {  	v3 =	vld.idx.msk [tilespmem:v1+s14+$0x210 ss:$0x1], $0xffff;
	_ =	sdelay $0x3  }
0x8d: {  	vm13 =	vgt.s32 v2, v25  }
0x8e: {  	v3 =	vnsel vm13, $0x0, v3  }
0x8f: {  	[tilespmem:$0x5290] =	vst v3  }
0x90: {  	v3 =	vld.idx.msk [tilespmem:v1+s14+$0x220 ss:$0x1], $0xffff;
	_ =	sdelay $0x3  }
0x91: {  	vm14 =	vgt.s32 v2, v26  }
0x92: {  	v3 =	vnsel vm14, $0x0, v3  }
0x93: {  	[tilespmem:$0x52A0] =	vst v3  }
0x94: {  	v3 =	vld.idx.msk [tilespmem:v1+s14+$0x230 ss:$0x1], $0xffff;
	_ =	sdelay $0x3  }
0x95: {  	vm15 =	vgt.s32 v2, v27  }
0x96: {  	v3 =	vnsel vm15, $0x0, v3  }
0x97: {  	[tilespmem:$0x52B0] =	vst v3  }
0x98: {  	v3 =	vld.idx.msk [tilespmem:v1+s14+$0x240 ss:$0x1], $0xffff;
	_ =	sdelay $0x3  }
0x99: {  	vm4 =	vgt.s32 v2, v28  }
0x9a: {  	v3 =	vnsel vm4, $0x0, v3  }
0x9b: {  	[tilespmem:$0x52C0] =	vst v3  }
0x9c: {  	v3 =	vld.idx.msk [tilespmem:v1+s14+$0x250 ss:$0x1], $0xffff;
	_ =	sdelay $0x3  }
0x9d: {  	vm5 =	vgt.s32 v2, v29  }
0x9e: {  	v3 =	vnsel vm5, $0x0, v3  }
0x9f: {  	[tilespmem:$0x52D0] =	vst v3  }
0xa0: {  	v3 =	vld.idx.msk [tilespmem:v1+s14+$0x260 ss:$0x1], $0xffff;
	_ =	sdelay $0x3  }
0xa1: {  	vm6 =	vgt.s32 v2, v30  }
0xa2: {  	v3 =	vnsel vm6, $0x0, v3  }
0xa3: {  	[tilespmem:$0x52E0] =	vst v3  }
0xa4: {  	v3 =	vld.idx.msk [tilespmem:v1+s14+$0x270 ss:$0x1], $0xffff;
	_ =	sdelay $0x3  }
0xa5: {  	vm7 =	vgt.s32 v2, v31  }
0xa6: {  	v3 =	vnsel vm7, $0x0, v3  }
0xa7: {  	[tilespmem:$0x52F0] =	vst v3  }
0xa8: {  	v3 =	vld [tilespmem:s15+$0x280];
	_ =	sdelay $0x3  }
0xa9: {  	vm8 =	vgt.s32 v2, v32  }
0xaa: {  	v3 =	vnsel vm8, $0x0, v3  }
0xab: {  	[tilespmem:$0x5300] =	vst v3  }
0xac: {  	v3 =	vld.idx.msk [tilespmem:v1+s14+$0x290 ss:$0x1], $0xffff;
	_ =	sdelay $0x3  }
0xad: {  	vm9 =	vgt.s32 v2, v33  }
0xae: {  	v3 =	vnsel vm9, $0x0, v3  }
0xaf: {  	[tilespmem:$0x5310] =	vst v3  }
0xb0: {  	v3 =	vld.idx.msk [tilespmem:v1+s14+$0x2A0 ss:$0x1], $0xffff;
	_ =	sdelay $0x3  }
0xb1: {  	vm10 =	vgt.s32 v2, v34  }
0xb2: {  	v3 =	vnsel vm10, $0x0, v3  }
0xb3: {  	[tilespmem:$0x5320] =	vst v3  }
0xb4: {  	v3 =	vld.idx.msk [tilespmem:v1+s14+$0x2B0 ss:$0x1], $0xffff;
	_ =	sdelay $0x3  }
0xb5: {  	vm11 =	vgt.s32 v2, v35  }
0xb6: {  	v3 =	vnsel vm11, $0x0, v3  }
0xb7: {  	[tilespmem:$0x5330] =	vst v3  }
0xb8: {  	v3 =	vld.idx.msk [tilespmem:v1+s14+$0x2C0 ss:$0x1], $0xffff;
	_ =	sdelay $0x3  }
0xb9: {  	vm12 =	vgt.s32 v2, v36  }
0xba: {  	v3 =	vnsel vm12, $0x0, v3  }
0xbb: {  	[tilespmem:$0x5340] =	vst v3  }
0xbc: {  	v3 =	vld.idx.msk [tilespmem:v1+s14+$0x2D0 ss:$0x1], $0xffff;
	_ =	sdelay $0x3  }
0xbd: {  	vm13 =	vgt.s32 v2, v37  }
0xbe: {  	v3 =	vnsel vm13, $0x0, v3  }
0xbf: {  	[tilespmem:$0x5350] =	vst v3  }
0xc0: {  	v3 =	vld.idx.msk [tilespmem:v1+s14+$0x2E0 ss:$0x1], $0xffff;
	_ =	sdelay $0x3  }
0xc1: {  	vm14 =	vgt.s32 v2, v38  }
0xc2: {  	v3 =	vnsel vm14, $0x0, v3  }
0xc3: {  	[tilespmem:$0x5360] =	vst v3  }
0xc4: {  	v3 =	vld.idx.msk [tilespmem:v1+s14+$0x2F0 ss:$0x1], $0xffff;
	_ =	sdelay $0x3  }
0xc5: {  	vm15 =	vgt.s32 v2, v39  }
0xc6: {  	v3 =	vnsel vm15, $0x0, v3  }
0xc7: {  	[tilespmem:$0x5370] =	vst v3  }
0xc8: {  	v3 =	vld [tilespmem:s15+$0x300];
	_ =	sdelay $0x3  }
0xc9: {  	vm4 =	vgt.s32 v2, v40  }
0xca: {  	v3 =	vnsel vm4, $0x0, v3  }
0xcb: {  	[tilespmem:$0x5380] =	vst v3  }
0xcc: {  	v3 =	vld.idx.msk [tilespmem:v1+s14+$0x310 ss:$0x1], $0xffff;
	_ =	sdelay $0x3  }
0xcd: {  	vm5 =	vgt.s32 v2, v41  }
0xce: {  	v3 =	vnsel vm5, $0x0, v3  }
0xcf: {  	[tilespmem:$0x5390] =	vst v3  }
0xd0: {  	v3 =	vld.idx.msk [tilespmem:v1+s14+$0x320 ss:$0x1], $0xffff;
	_ =	sdelay $0x3  }
0xd1: {  	vm6 =	vgt.s32 v2, v42  }
0xd2: {  	v3 =	vnsel vm6, $0x0, v3  }
0xd3: {  	[tilespmem:$0x53A0] =	vst v3  }
0xd4: {  	v3 =	vld.idx.msk [tilespmem:v1+s14+$0x330 ss:$0x1], $0xffff;
	_ =	sdelay $0x3  }
0xd5: {  	vm7 =	vgt.s32 v2, v43  }
0xd6: {  	v3 =	vnsel vm7, $0x0, v3  }
0xd7: {  	[tilespmem:$0x53B0] =	vst v3  }
0xd8: {  	v3 =	vld.idx.msk [tilespmem:v1+s14+$0x340 ss:$0x1], $0xffff;
	_ =	sdelay $0x3  }
0xd9: {  	vm8 =	vgt.s32 v2, v44  }
0xda: {  	v3 =	vnsel vm8, $0x0, v3  }
0xdb: {  	[tilespmem:$0x53C0] =	vst v3  }
0xdc: {  	v3 =	vld.idx.msk [tilespmem:v1+s14+$0x350 ss:$0x1], $0xffff;
	_ =	sdelay $0x3  }
0xdd: {  	vm9 =	vgt.s32 v2, v45  }
0xde: {  	v3 =	vnsel vm9, $0x0, v3  }
0xdf: {  	[tilespmem:$0x53D0] =	vst v3  }
0xe0: {  	v3 =	vld.idx.msk [tilespmem:v1+s14+$0x360 ss:$0x1], $0xffff;
	_ =	sdelay $0x3  }
0xe1: {  	vm10 =	vgt.s32 v2, v46  }
0xe2: {  	v3 =	vnsel vm10, $0x0, v3  }
0xe3: {  	[tilespmem:$0x53E0] =	vst v3  }
0xe4: {  	v3 =	vld.idx.msk [tilespmem:v1+s14+$0x370 ss:$0x1], $0xffff;
	_ =	sdelay $0x3  }
0xe5: {  	vm11 =	vgt.s32 v2, v47  }
0xe6: {  	v3 =	vnsel vm11, $0x0, v3  }
0xe7: {  	[tilespmem:$0x53F0] =	vst v3  }
0xe8: {  	v3 =	vld [tilespmem:s15+$0x380];
	_ =	sdelay $0x3  }
0xe9: {  	vm12 =	vgt.s32 v2, v48  }
0xea: {  	v3 =	vnsel vm12, $0x0, v3  }
0xeb: {  	[tilespmem:$0x5400] =	vst v3  }
0xec: {  	v3 =	vld.idx.msk [tilespmem:v1+s14+$0x390 ss:$0x1], $0xffff;
	_ =	sdelay $0x3  }
0xed: {  	vm13 =	vgt.s32 v2, v49  }
0xee: {  	v3 =	vnsel vm13, $0x0, v3  }
0xef: {  	[tilespmem:$0x5410] =	vst v3  }
0xf0: {  	v3 =	vld.idx.msk [tilespmem:v1+s14+$0x3A0 ss:$0x1], $0xffff;
	_ =	sdelay $0x3  }
0xf1: {  	vm14 =	vgt.s32 v2, v50  }
0xf2: {  	v3 =	vnsel vm14, $0x0, v3  }
0xf3: {  	[tilespmem:$0x5420] =	vst v3  }
0xf4: {  	v3 =	vld.idx.msk [tilespmem:v1+s14+$0x3B0 ss:$0x1], $0xffff;
	_ =	sdelay $0x3  }
0xf5: {  	vm15 =	vgt.s32 v2, v51  }
0xf6: {  	v3 =	vnsel vm15, $0x0, v3  }
0xf7: {  	[tilespmem:$0x5430] =	vst v3  }
0xf8: {  	v3 =	vld.idx.msk [tilespmem:v1+s14+$0x3C0 ss:$0x1], $0xffff;
	_ =	sdelay $0x3  }
0xf9: {  	vm4 =	vgt.s32 v2, v52  }
0xfa: {  	v3 =	vnsel vm4, $0x0, v3  }
0xfb: {  	[tilespmem:$0x5440] =	vst v3  }
0xfc: {  	v3 =	vld.idx.msk [tilespmem:v1+s14+$0x3D0 ss:$0x1], $0xffff;
	_ =	sdelay $0x3  }
0xfd: {  	vm5 =	vgt.s32 v2, v53  }
0xfe: {  	v3 =	vnsel vm5, $0x0, v3  }
0xff: {  	[tilespmem:$0x5450] =	vst v3  }
0x100: {  	v3 =	vld.idx.msk [tilespmem:v1+s14+$0x3E0 ss:$0x1], $0xffff;
	_ =	sdelay $0x3  }
0x101: {  	vm6 =	vgt.s32 v2, v54  }
0x102: {  	v3 =	vnsel vm6, $0x0, v3  }
0x103: {  	[tilespmem:$0x5460] =	vst v3  }
0x104: {  	v3 =	vld.idx.msk [tilespmem:v1+s14+$0x3F0 ss:$0x1], $0xffff;
	_ =	sdelay $0x3  }
0x105: {  	vm7 =	vgt.s32 v2, v55  }
0x106: {  	v3 =	vnsel vm7, $0x0, v3  }
0x107: {  	[tilespmem:$0x5470] =	vst v3  }
0x108: {  	v3 =	vld [tilespmem:s15+$0x400];
	_ =	sdelay $0x3  }
0x109: {  	vm8 =	vgt.s32 v2, v56  }
0x10a: {  	v3 =	vnsel vm8, $0x0, v3  }
0x10b: {  	[tilespmem:$0x5480] =	vst v3  }
0x10c: {  	v3 =	vld.idx.msk [tilespmem:v1+s14+$0x410 ss:$0x1], $0xffff;
	_ =	sdelay $0x3  }
0x10d: {  	vm9 =	vgt.s32 v2, v57  }
0x10e: {  	v3 =	vnsel vm9, $0x0, v3  }
0x10f: {  	[tilespmem:$0x5490] =	vst v3  }
0x110: {  	v3 =	vld.idx.msk [tilespmem:v1+s14+$0x420 ss:$0x1], $0xffff;
	_ =	sdelay $0x3  }
0x111: {  	vm10 =	vgt.s32 v2, v58  }
0x112: {  	v3 =	vnsel vm10, $0x0, v3  }
0x113: {  	[tilespmem:$0x54A0] =	vst v3  }
0x114: {  	v3 =	vld.idx.msk [tilespmem:v1+s14+$0x430 ss:$0x1], $0xffff;
	_ =	sdelay $0x3  }
0x115: {  	vm11 =	vgt.s32 v2, v59  }
0x116: {  	v3 =	vnsel vm11, $0x0, v3  }
0x117: {  	[tilespmem:$0x54B0] =	vst v3  }
0x118: {  	v3 =	vld.idx.msk [tilespmem:v1+s14+$0x440 ss:$0x1], $0xffff;
	_ =	sdelay $0x3  }
0x119: {  	vm12 =	vgt.s32 v2, v60  }
0x11a: {  	v3 =	vnsel vm12, $0x0, v3  }
0x11b: {  	[tilespmem:$0x54C0] =	vst v3  }
0x11c: {  	v3 =	vld.idx.msk [tilespmem:v1+s14+$0x450 ss:$0x1], $0xffff;
	_ =	sdelay $0x3  }
0x11d: {  	vm13 =	vgt.s32 v2, v61  }
0x11e: {  	v3 =	vnsel vm13, $0x0, v3  }
0x11f: {  	[tilespmem:$0x54D0] =	vst v3  }
0x120: {  	v3 =	vld.idx.msk [tilespmem:v1+s14+$0x460 ss:$0x1], $0xffff;
	_ =	sdelay $0x3  }
0x121: {  	vm14 =	vgt.s32 v2, v62  }
0x122: {  	v3 =	vnsel vm14, $0x0, v3  }
0x123: {  	[tilespmem:$0x54E0] =	vst v3  }
0x124: {  	v3 =	vld.idx.msk [tilespmem:v1+s14+$0x470 ss:$0x1], $0xffff;
	_ =	sdelay $0x3  }
0x125: {  	vm15 =	vgt.s32 v2, v63  }
0x126: {  	p0 =	sne.s32 s8, $0x1;
	v2 =	vnsel vm15, $0x0, v3  }
.Ltmp0:
0x127: {  	[tilespmem:$0x54F0] =	vst v2;
	(pc) =	sbr.rel @p0 .LBB2_1-.Ltmp0, $4  }
0x128: {  	[hbm4b:s7+s2] =	stream.linear.scatter [tilespmem:s12], [sflag:$0x3], $0x400, $0x38;
	[tilespmem:$0x5500] =	vst v63  }
0x129: {  	_ =	swait.ge [sflag:s13], $0x400  }
0x12a: {  	[sflag:s13] =	ssyncset.done $0x0  }
0x12b: {  	s8 =	sadd.s32 $0xFFFFFFFF, s8;
	[sflag:s13] =	ssyncadd.s32 $0xFFFFFC00  }
0x12c: {  	_ =	sfence.sel $0x180000  }
0x12d: {  	[bflag:$0x0] =	sbarrier.arrive $0xFFFF  }
0x12e: {  	p0 =	sne.s32 s3, $0x0;
	_ =	strace $0x90000047  }
0x12f: {  	s0 =	sadd.s32 @!p0 $0x100000, s1;
	[bflag:$0x2] =	sbarrier.arrive $0xFFFF  }
0x130: {  	[sflag:s0] =	ssyncadd.tile.s32 @!p0 $0x1;
	_ =	shalt  }
.Lfunc_end2:
_tile_overlayer_lowered:
.L_overlay_start_2:
0x131: {  	(tag) =	ssettag $0x2  }
0x132: {  	s0 =	rddreg [dreg:$0x0];
	s2 =	stileid.u32  }
0x133: {  	s1 =	rddreg [dreg:$0x1];
	p0 =	sne.s32 s2, $0x0  }
0x134: {  	s3 =	rddreg [dreg:$0x2];
	[bflag:$0x3] =	sbarrier.arrive $0xFFFF;
	s2 =	simm.s32 @!p0 $0x1C03  }
0x135: {  	[timem:s3], [sflag:s2] =	dma.local @!p0 [hbm:s0], s1  }
0x136: {  	s0 =	simm.s32 @!p0 $0x3  }
0x137: {  	_ =	swait.ge @!p0 [sflag:s0], s1  }
0x138: {  	s1 =	ssub.s32 @!p0 $0x0, s1;
	[sflag:s0] =	ssyncset.done @!p0 $0x0  }
0x139: {  	[sflag:s0] =	ssyncadd.s32 @!p0 s1  }
0x13a: {  	[bflag:$0x3] =	sbarrier.arrive $0xFFFF  }
0x13b: {  	_ =	shalt  }

</sc_bundles>
